<compile_context>
chip_gen: v7x
topology: tpu7x:2x2x1
jax: 0.10.2.dev20260603
libtpu: 0.0.44.dev20260713+nightly
codegen_flags: <defaults>
</compile_context>

<pallas_src>
import functools
import math

import jax
import jax.numpy as jnp
from jax import lax
from jax.experimental import pallas as pl
from jax.experimental.pallas import tpu as pltpu
from jax.experimental.pallas import tpu_sc as plsc

_THRESHOLD = 0.8
_CAP_FACTOR = 1.25
_MIN_EXPERT_CAPACITY = 4
_LOSS_COEF = 0.01



def _routing_body(x_ref, wg_ref, coef_ref, pos_ref, tok_ref, scf_ref,
                  aux_ref, acc_ref, *, T, TBLK, C, B, E):
    b = pl.program_id(0)
    i = pl.program_id(1)
    nblk = T // TBLK

    @pl.when(i == 0)
    def _init():
        acc_ref[0:3, :] = jnp.zeros((3, acc_ref.shape[1]), jnp.float32)
        tok_ref[...] = jnp.zeros(tok_ref.shape, tok_ref.dtype)
        scf_ref[...] = jnp.zeros(scf_ref.shape, scf_ref.dtype)

        @pl.when(b == 0)
        def _init_aux():
            acc_ref[3:4, :] = jnp.zeros((1, acc_ref.shape[1]), jnp.float32)

    x_blk = x_ref[0]
    wg = wg_ref[...]
    logits = jnp.dot(x_blk, wg, preferred_element_type=jnp.float32)
    m = jnp.max(logits, axis=1, keepdims=True)
    ex = jnp.exp(logits - m)
    p = ex / jnp.sum(ex, axis=1, keepdims=True)

    iota_e = lax.broadcasted_iota(jnp.int32, (TBLK, E), 1)
    rank = jnp.zeros((TBLK, E), jnp.float32)
    csum = jnp.zeros((TBLK, E), jnp.float32)
    for j in range(E):
        pj = p[:, j:j + 1]
        gt = pj > p
        eq = pj == p
        rank = rank + jnp.where(gt | (eq & (iota_e > j)), 1.0, 0.0)
        csum = csum + jnp.where(gt | (eq & (iota_e >= j)), pj, 0.0)
    keep = (csum < _THRESHOLD) | (rank == 0.0)
    maskf = keep.astype(jnp.float32)
    renorm = jnp.clip(jnp.sum(p * maskf, axis=1, keepdims=True), 1e-9, None)
    weight = p * maskf / renorm

    it0 = lax.broadcasted_iota(jnp.int32, (TBLK, TBLK), 0)
    it1 = lax.broadcasted_iota(jnp.int32, (TBLK, TBLK), 1)
    ltm = (it1 < it0).astype(jnp.float32)
    carry = acc_ref[0:1, 0:E]
    pos = lax.dot_general(
        ltm, maskf, (((1,), (0,)), ((), ())),
        preferred_element_type=jnp.float32,
    ) + carry
    acc_ref[0:1, 0:E] = carry + jnp.sum(maskf, axis=0, keepdims=True)
    keep_cap = (pos < float(C)) & keep
    kcf = keep_cap.astype(jnp.float32)
    coefs = weight * kcf
    coef_ref[0] = coefs
    pos_ref[0] = jnp.minimum(pos, float(C - 1)).astype(jnp.int32)

    slot_i = lax.broadcasted_iota(jnp.int32, (TBLK, C), 1).astype(jnp.float32)
    tids = (b * T + i * TBLK
            + lax.broadcasted_iota(jnp.int32, (TBLK, 1), 0)).astype(jnp.float32)
    tok_cols = []
    scf_cols = []
    for e in range(E):
        onehot = jnp.where(
            (slot_i == pos[:, e:e + 1]) & (kcf[:, e:e + 1] > 0.0), 1.0, 0.0)
        tok_cols.append(lax.dot_general(
            onehot, tids, (((0,), (0,)), ((), ())),
            preferred_element_type=jnp.float32,
            precision=lax.Precision.HIGHEST))
        scf_cols.append(lax.dot_general(
            onehot, coefs[:, e:e + 1], (((0,), (0,)), ((), ())),
            preferred_element_type=jnp.float32,
            precision=lax.Precision.HIGHEST))
    tok_ref[0] += jnp.concatenate(tok_cols, axis=1)
    scf_ref[0] += jnp.concatenate(scf_cols, axis=1)

    acc_ref[1:2, 0:E] = acc_ref[1:2, 0:E] + jnp.sum(maskf, axis=0, keepdims=True)
    acc_ref[2:3, 0:E] = acc_ref[2:3, 0:E] + jnp.sum(p, axis=0, keepdims=True)

    @pl.when(i == nblk - 1)
    def _finish_b():
        partial = jnp.sum(acc_ref[1:2, 0:E] * acc_ref[2:3, 0:E]).reshape(1, 1)
        acc_ref[3:4, 0:1] = acc_ref[3:4, 0:1] + partial

        @pl.when(b == B - 1)
        def _emit():
            scale = (E * E * _LOSS_COEF) / (float(T) * float(T) * B * E)
            aux_ref[0:1, 0:1] = acc_ref[3:4, 0:1] * scale


def _routing(x, w_gating, C):
    B, T, D = x.shape
    E = w_gating.shape[-1]
    TBLK = 512
    nblk = T // TBLK
    coef, pos, tok, scf, aux = pl.pallas_call(
        functools.partial(_routing_body, T=T, TBLK=TBLK, C=C, B=B, E=E),
        grid=(B, nblk),
        in_specs=[
            pl.BlockSpec((1, TBLK, D), lambda b, i: (b, i, 0)),
            pl.BlockSpec((D, E), lambda b, i: (0, 0)),
        ],
        out_specs=[
            pl.BlockSpec((1, TBLK, E), lambda b, i: (b, i, 0)),
            pl.BlockSpec((1, TBLK, E), lambda b, i: (b, i, 0)),
            pl.BlockSpec((1, C, E), lambda b, i: (b, 0, 0)),
            pl.BlockSpec((1, C, E), lambda b, i: (b, 0, 0)),
            pl.BlockSpec((1, 1), lambda b, i: (0, 0)),
        ],
        out_shape=[
            jax.ShapeDtypeStruct((B, T, E), jnp.float32),
            jax.ShapeDtypeStruct((B, T, E), jnp.int32),
            jax.ShapeDtypeStruct((B, C, E), jnp.float32),
            jax.ShapeDtypeStruct((B, C, E), jnp.float32),
            jax.ShapeDtypeStruct((1, 1), jnp.float32),
        ],
        scratch_shapes=[pltpu.VMEM((8, 128), jnp.float32)],
    )(x, w_gating)
    return coef, pos, tok, scf, aux



def _make_dispatch(B, T, D, E, C):
    G = C // 2
    mesh = plsc.VectorSubcoreMesh(core_axis_name="c", subcore_axis_name="s")

    @functools.partial(
        pl.kernel,
        out_type=jax.ShapeDtypeStruct((E, B, C, D), jnp.float32),
        mesh=mesh,
        scratch_types=[
            pltpu.VMEM((2, G), jnp.int32),
            pltpu.VMEM((G, D), jnp.float32),
            pltpu.VMEM((G, D), jnp.float32),
            pltpu.SemaphoreType.DMA,
            pltpu.SemaphoreType.DMA,
            pltpu.SemaphoreType.DMA,
            pltpu.SemaphoreType.DMA,
        ],
    )
    def dispatch(tok_hbm, xflat_hbm, xbuf_hbm, tok_v, rows0_v, rows1_v,
                 sem0, sem1, sem2, sem3):
        b = lax.axis_index("c")
        e = lax.axis_index("s")
        pltpu.sync_copy(tok_hbm.at[b, e], tok_v)
        cp0 = pltpu.async_copy(xflat_hbm.at[tok_v.at[0]], rows0_v, sem0)
        cp1 = pltpu.async_copy(xflat_hbm.at[tok_v.at[1]], rows1_v, sem1)
        cp0.wait()
        wr0 = pltpu.async_copy(rows0_v, xbuf_hbm.at[e, b, pl.ds(0, G)], sem2)
        cp1.wait()
        wr1 = pltpu.async_copy(rows1_v, xbuf_hbm.at[e, b, pl.ds(G, G)], sem3)
        wr0.wait()
        wr1.wait()

    return dispatch



def _ffn_body(x_ref, w1_ref, w2_ref, sc_ref, out_ref):
    xb = x_ref[0, 0].astype(jnp.bfloat16)
    w1b = w1_ref[0].astype(jnp.bfloat16)
    w2b = w2_ref[0].astype(jnp.bfloat16)
    h = jnp.dot(xb, w1b, preferred_element_type=jnp.float32)
    h = jnp.maximum(h, 0.0).astype(jnp.bfloat16)
    y = jnp.dot(h, w2b, preferred_element_type=jnp.float32)
    cf = sc_ref[0, 0]
    out_ref[0, 0] = jnp.where(cf > 0.0, cf * y, 0.0).astype(jnp.bfloat16)


def _expert_ffn(xbuf, scoef, w1, w2):
    E, B, C, D = xbuf.shape
    H = w1.shape[-1]
    return pl.pallas_call(
        _ffn_body,
        grid=(E, B),
        in_specs=[
            pl.BlockSpec((1, 1, C, D), lambda e, b: (e, b, 0, 0)),
            pl.BlockSpec((1, D, H), lambda e, b: (e, 0, 0)),
            pl.BlockSpec((1, H, D), lambda e, b: (e, 0, 0)),
            pl.BlockSpec((1, 1, C, 1), lambda e, b: (e, b, 0, 0)),
        ],
        out_specs=pl.BlockSpec((1, 1, C, D), lambda e, b: (e, b, 0, 0)),
        out_shape=jax.ShapeDtypeStruct((E, B, C, D), jnp.bfloat16),
    )(xbuf, w1, w2, scoef)



def _combine_body(pos_ref, coef_ref, ebuf_ref, out_ref, *, C, E):
    TBLK2 = out_ref.shape[1]
    D = out_ref.shape[2]
    slot_i = lax.broadcasted_iota(jnp.int32, (TBLK2, C), 1)
    acc = jnp.zeros((TBLK2, D), jnp.float32)
    for e in range(E):
        pcol = pos_ref[0, :, e:e + 1]
        ccol = coef_ref[0, :, e:e + 1]
        onehot = ((slot_i == pcol) & (ccol > 0.0)).astype(jnp.bfloat16)
        acc = acc + jnp.dot(onehot, ebuf_ref[e, 0],
                            preferred_element_type=jnp.float32)
    out_ref[0] = acc


def _combine(pos, coef, ebuf):
    B, T, E = pos.shape
    _, _, C, D = ebuf.shape
    TBLK2 = 256
    nblk = T // TBLK2
    return pl.pallas_call(
        functools.partial(_combine_body, C=C, E=E),
        grid=(B, nblk),
        in_specs=[
            pl.BlockSpec((1, TBLK2, E), lambda b, i: (b, i, 0)),
            pl.BlockSpec((1, TBLK2, E), lambda b, i: (b, i, 0)),
            pl.BlockSpec((E, 1, C, D), lambda b, i: (0, b, 0, 0)),
        ],
        out_specs=pl.BlockSpec((1, TBLK2, D), lambda b, i: (b, i, 0)),
        out_shape=jax.ShapeDtypeStruct((B, T, D), jnp.float32),
    )(pos, coef, ebuf)



def kernel(inputs, w_gating, w1, w2):
    B, T, D = inputs.shape
    E = w_gating.shape[-1]
    C = max(min(T, math.ceil(T * _CAP_FACTOR / E)), _MIN_EXPERT_CAPACITY)
    coef, pos, tok, scf, aux = _routing(inputs, w_gating, C)
    tok_i = tok.transpose(0, 2, 1).astype(jnp.int32).reshape(B, E, 2, C // 2)
    scoef = scf.transpose(2, 0, 1).reshape(E, B, C, 1)
    xflat = inputs.reshape(B * T, D)
    dispatch = _make_dispatch(B, T, D, E, C)
    xbuf = dispatch(tok_i, xflat)
    ebuf = _expert_ffn(xbuf, scoef, w1, w2)
    out = _combine(pos, coef, ebuf)
    return out, aux.reshape(())

# --- scband reference (transcript-rebuilt; emitter-appended) ---
"""Pipeline reference for scband-mo-e-37005438223072 (READ-ONLY COPY).

The authoritative reference and input builder live on the scoring server;
editing this copy changes nothing except your own understanding.
"""

import jax, jax.numpy as jnp
import numpy as np
import math

B = 2
T = 2048
DIM = 768
E = 16
H = 1024
THRESHOLD = 0.8
CAP_FACTOR = 1.25  # module defaults to training mode
MIN_EXPERT_CAPACITY = 4
LOSS_COEF = 0.01


def setup_inputs(seed: int = 0) -> dict:
    key = jax.random.key(seed)
    k1, k2, k3, k4 = jax.random.split(key, 4)
    x = jax.random.normal(k1, (B, T, DIM), dtype=jnp.float32)
    w_gating = jax.random.normal(k2, (DIM, E), dtype=jnp.float32)
    std1 = 1.0 / math.sqrt(H)   # init_ uses last-dim of w1 = hidden_dim
    std2 = 1.0 / math.sqrt(DIM)  # last-dim of w2 = dim
    w1 = jax.random.uniform(k3, (E, DIM, H), minval=-std1, maxval=std1, dtype=jnp.float32)
    w2 = jax.random.uniform(k4, (E, H, DIM), minval=-std2, maxval=std2, dtype=jnp.float32)
    return {"inputs": x, "w_gating": w_gating, "w1": w1, "w2": w2}


def _moe_forward(x, w_gating, w1, w2):
    B_, T_, D_ = x.shape
    E_ = w_gating.shape[-1]
    # --- DynamicKGating ---
    raw_gates = jnp.einsum('bnd,de->bne', x, w_gating)
    probs = jax.nn.softmax(raw_gates, axis=-1)
    idx_sorted = jnp.argsort(-probs, axis=-1)
    p_sorted = jnp.take_along_axis(probs, idx_sorted, axis=-1)
    cumsum = jnp.cumsum(p_sorted, axis=-1)
    keep = cumsum < THRESHOLD
    keep = keep.at[..., 0].set(True)
    k_star = jnp.clip(keep.sum(axis=-1), None, E_)
    range_e = jnp.arange(E_)
    slot_mask = range_e[None, None, :] < k_star[..., None]
    sel_idx_sorted = jnp.where(slot_mask, idx_sorted, -1)
    sel_p_sorted = jnp.where(slot_mask, p_sorted, 0.0)
    renorm = jnp.clip(sel_p_sorted.sum(axis=-1, keepdims=True), 1e-9, None)
    sel_p_sorted = sel_p_sorted / renorm
    valid = (sel_idx_sorted != -1).astype(probs.dtype)
    # scatter_add over last dim == sum of one-hots over slot dim
    oh = jax.nn.one_hot(jnp.clip(sel_idx_sorted, 0, None), E_, dtype=probs.dtype)
    expert_masks = (oh * valid[..., None]).sum(axis=2)
    expert_weights = (oh * sel_p_sorted[..., None]).sum(axis=2)
    expert_weights = expert_weights * (expert_masks > 0).astype(probs.dtype)
    expert_capacity = min(T_, math.ceil(T_ * CAP_FACTOR / E_))
    C = max(expert_capacity, MIN_EXPERT_CAPACITY)
    # exclusive cumsum over time per expert
    masks_te = jnp.swapaxes(expert_masks, 1, 2)
    pos_te = jnp.cumsum(masks_te, axis=-1) - masks_te
    pos = jnp.swapaxes(pos_te, 1, 2)
    keep_cap = (pos < float(C)) & (expert_masks > 0)
    pos_i = jnp.clip(pos, None, C - 1).astype(jnp.int32)
    oh_c = jax.nn.one_hot(pos_i, C, dtype=probs.dtype)
    dispatch = oh_c * keep_cap[..., None].astype(probs.dtype)
    combine = oh_c * (expert_weights * keep_cap.astype(probs.dtype))[..., None]
    density = expert_masks.mean(axis=1)
    density_proxy = probs.mean(axis=1)
    aux_loss = (density * density_proxy).mean() * (E_ ** 2)
    # --- MoE dispatch / experts / combine ---
    expert_inputs = jnp.einsum('bnd,bnec->ebcd', x, dispatch)
    orig_shape = expert_inputs.shape
    ei = expert_inputs.reshape(E_, -1, D_)
    hidden = jax.nn.relu(jnp.einsum('end,edh->enh', ei, w1))
    eo = jnp.einsum('enh,ehd->end', hidden, w2)
    eo = eo.reshape(orig_shape)
    output = jnp.einsum('ebcd,bnec->bnd', eo, combine)
    return output, aux_loss * LOSS_COEF


def reference(inputs, w_gating, w1, w2):
    return _moe_forward(inputs, w_gating, w1, w2)

if __name__ == "__main__":
    import jax
    _d = setup_inputs()
    print(jax.jit(kernel)(*tuple(_d.values())))

</pallas_src>

<mosaic_0001>
#map = affine_map<(d0, d1) -> (0, 0, 0, 0)>
#map1 = affine_map<(d0, d1) -> (0, 0)>
module attributes {stable_mosaic.version = 14 : i64} {
  func.func @dispatch(%arg0: i32, %arg1: i32, %arg2: memref<2x16x2x80xi32, #tpu.memory_space<hbm>>, %arg3: memref<4096x768xf32, #tpu.memory_space<hbm>>, %arg4: memref<16x2x160x768xf32, #tpu.memory_space<hbm>>, %arg5: memref<2x80xi32, #tpu.memory_space<vmem>>, %arg6: memref<80x768xf32, #tpu.memory_space<vmem>>, %arg7: memref<80x768xf32, #tpu.memory_space<vmem>>, %arg8: memref<!tpu.dma_semaphore, #tpu.memory_space<semaphore_mem>>, %arg9: memref<!tpu.dma_semaphore, #tpu.memory_space<semaphore_mem>>, %arg10: memref<!tpu.dma_semaphore, #tpu.memory_space<semaphore_mem>>, %arg11: memref<!tpu.dma_semaphore, #tpu.memory_space<semaphore_mem>>) attributes {dimension_semantics = [#tpu.dimension_semantics<core_parallel>, #tpu.dimension_semantics<subcore_parallel>], iteration_bounds = array<i64: 2, 16>, scalar_prefetch = 0 : i64, scratch_operands = 7 : i64, tpu.core_type = #tpu.core_type<sc_vector_subcore>, window_params = [{transform_indices = #map}, {transform_indices = #map1}, {transform_indices = #map}]} {
    "tpu.region"() ({
      %run_scoped3A = tpu.sem_alloc : memref<!tpu.dma_semaphore, #tpu.memory_space<semaphore_mem>>
      %dma_start3A_58 = arith.constant 0 : i32
      %dma_start3A_59 = arith.constant 0 : i32
      %dma_start3A_60 = tpu.memref_slice %arg2[%arg0, %arg1, %dma_start3A_58, %dma_start3A_59] : memref<2x16x2x80xi32, #tpu.memory_space<hbm>> -> memref<1x1x2x80xi32, #tpu.memory_space<hbm>>
      %dma_start3A_61 = tpu.memref_squeeze %dma_start3A_60 : memref<1x1x2x80xi32, #tpu.memory_space<hbm>> -> memref<2x80xi32, #tpu.memory_space<hbm>>
      %dma_start3A_62 = arith.constant 0 : i32
      %dma_start3A_63 = arith.constant 0 : i32
      %dma_start3A_64 = tpu.memref_slice %arg2[%arg0, %arg1, %dma_start3A_62, %dma_start3A_63] : memref<2x16x2x80xi32, #tpu.memory_space<hbm>> -> memref<1x1x2x80xi32, #tpu.memory_space<hbm>>
      %dma_start3A_65 = tpu.memref_squeeze %dma_start3A_64 : memref<1x1x2x80xi32, #tpu.memory_space<hbm>> -> memref<2x80xi32, #tpu.memory_space<hbm>>
      tpu.enqueue_dma source(%dma_start3A_65 : memref<2x80xi32, #tpu.memory_space<hbm>>) target(%arg5 : memref<2x80xi32, #tpu.memory_space<vmem>>) target_semaphore(%run_scoped3A : memref<!tpu.dma_semaphore, #tpu.memory_space<semaphore_mem>>)
      %dma_wait3A_66 = arith.constant 0 : i32
      %dma_wait3A_67 = arith.constant 0 : i32
      %dma_wait3A_68 = tpu.memref_slice %arg2[%arg0, %arg1, %dma_wait3A_66, %dma_wait3A_67] : memref<2x16x2x80xi32, #tpu.memory_space<hbm>> -> memref<1x1x2x80xi32, #tpu.memory_space<hbm>>
      %dma_wait3A_69 = tpu.memref_squeeze %dma_wait3A_68 : memref<1x1x2x80xi32, #tpu.memory_space<hbm>> -> memref<2x80xi32, #tpu.memory_space<hbm>>
      %dma_wait3A_70 = arith.constant 0 : i32
      %dma_wait3A_71 = arith.constant 0 : i32
      %dma_wait3A_72 = tpu.memref_slice %arg2[%arg0, %arg1, %dma_wait3A_70, %dma_wait3A_71] : memref<2x16x2x80xi32, #tpu.memory_space<hbm>> -> memref<1x1x2x80xi32, #tpu.memory_space<hbm>>
      %dma_wait3A_73 = tpu.memref_squeeze %dma_wait3A_72 : memref<1x1x2x80xi32, #tpu.memory_space<hbm>> -> memref<2x80xi32, #tpu.memory_space<hbm>>
      tpu.wait_dma2 semaphore(%run_scoped3A : memref<!tpu.dma_semaphore, #tpu.memory_space<semaphore_mem>>) src(%dma_wait3A_73 : memref<2x80xi32, #tpu.memory_space<hbm>>) dst(%arg5 : memref<2x80xi32, #tpu.memory_space<vmem>>)
      tpu.yield
    }) : () -> ()
    %dma_start3A = arith.constant 0 : i32
    %dma_start3A_0 = arith.constant 0 : i32
    %dma_start3A_1 = tpu.memref_slice %arg5[%dma_start3A, %dma_start3A_0] : memref<2x80xi32, #tpu.memory_space<vmem>> -> memref<1x80xi32, #tpu.memory_space<vmem>>
    %dma_start3A_2 = tpu.memref_squeeze %dma_start3A_1 : memref<1x80xi32, #tpu.memory_space<vmem>> -> memref<80xi32, #tpu.memory_space<vmem>>
    %dma_start3A_3 = arith.constant 0 : i32
    %dma_start3A_4 = arith.constant 0 : i32
    %dma_start3A_5 = tpu.memref_slice %arg3[%dma_start3A_3, %dma_start3A_4] : memref<4096x768xf32, #tpu.memory_space<hbm>> -> memref<4096x768xf32, #tpu.memory_space<hbm>>
    tpu.enqueue_indirect_dma source(%dma_start3A_5 : memref<4096x768xf32, #tpu.memory_space<hbm>>) target(%arg6 : memref<80x768xf32, #tpu.memory_space<vmem>>) offsets(%dma_start3A_2 : memref<80xi32, #tpu.memory_space<vmem>>) semaphore(%arg8 : memref<!tpu.dma_semaphore, #tpu.memory_space<semaphore_mem>>)
    %dma_start3A_6 = arith.constant 1 : i32
    %dma_start3A_7 = arith.constant 0 : i32
    %dma_start3A_8 = tpu.memref_slice %arg5[%dma_start3A_6, %dma_start3A_7] : memref<2x80xi32, #tpu.memory_space<vmem>> -> memref<1x80xi32, #tpu.memory_space<vmem>>
    %dma_start3A_9 = tpu.memref_squeeze %dma_start3A_8 : memref<1x80xi32, #tpu.memory_space<vmem>> -> memref<80xi32, #tpu.memory_space<vmem>>
    %dma_start3A_10 = arith.constant 0 : i32
    %dma_start3A_11 = arith.constant 0 : i32
    %dma_start3A_12 = tpu.memref_slice %arg3[%dma_start3A_10, %dma_start3A_11] : memref<4096x768xf32, #tpu.memory_space<hbm>> -> memref<4096x768xf32, #tpu.memory_space<hbm>>
    tpu.enqueue_indirect_dma source(%dma_start3A_12 : memref<4096x768xf32, #tpu.memory_space<hbm>>) target(%arg7 : memref<80x768xf32, #tpu.memory_space<vmem>>) offsets(%dma_start3A_9 : memref<80xi32, #tpu.memory_space<vmem>>) semaphore(%arg9 : memref<!tpu.dma_semaphore, #tpu.memory_space<semaphore_mem>>)
    %dma_wait3A = arith.constant 0 : i32
    %dma_wait3A_13 = arith.constant 0 : i32
    %dma_wait3A_14 = tpu.memref_slice %arg5[%dma_wait3A, %dma_wait3A_13] : memref<2x80xi32, #tpu.memory_space<vmem>> -> memref<1x80xi32, #tpu.memory_space<vmem>>
    %dma_wait3A_15 = tpu.memref_squeeze %dma_wait3A_14 : memref<1x80xi32, #tpu.memory_space<vmem>> -> memref<80xi32, #tpu.memory_space<vmem>>
    %dma_wait3A_16 = arith.constant 0 : i32
    %dma_wait3A_17 = arith.constant 0 : i32
    %dma_wait3A_18 = tpu.memref_slice %arg3[%dma_wait3A_16, %dma_wait3A_17] : memref<4096x768xf32, #tpu.memory_space<hbm>> -> memref<4096x768xf32, #tpu.memory_space<hbm>>
    tpu.wait_indirect_dma semaphore(%arg8 : memref<!tpu.dma_semaphore, #tpu.memory_space<semaphore_mem>>) src(%dma_wait3A_18 : memref<4096x768xf32, #tpu.memory_space<hbm>>) dst(%arg6 : memref<80x768xf32, #tpu.memory_space<vmem>>)
    %dma_start3A_19 = arith.constant 0 : i32
    %dma_start3A_20 = arith.constant 0 : i32
    %dma_start3A_21 = tpu.memref_slice %arg4[%arg1, %arg0, %dma_start3A_19, %dma_start3A_20] : memref<16x2x160x768xf32, #tpu.memory_space<hbm>> -> memref<1x1x80x768xf32, #tpu.memory_space<hbm>>
    %dma_start3A_22 = tpu.memref_squeeze %dma_start3A_21 : memref<1x1x80x768xf32, #tpu.memory_space<hbm>> -> memref<80x768xf32, #tpu.memory_space<hbm>>
    %dma_start3A_23 = arith.constant 0 : i32
    %dma_start3A_24 = arith.constant 0 : i32
    %dma_start3A_25 = tpu.memref_slice %arg4[%arg1, %arg0, %dma_start3A_23, %dma_start3A_24] : memref<16x2x160x768xf32, #tpu.memory_space<hbm>> -> memref<1x1x80x768xf32, #tpu.memory_space<hbm>>
    %dma_start3A_26 = tpu.memref_squeeze %dma_start3A_25 : memref<1x1x80x768xf32, #tpu.memory_space<hbm>> -> memref<80x768xf32, #tpu.memory_space<hbm>>
    tpu.enqueue_dma source(%arg6 : memref<80x768xf32, #tpu.memory_space<vmem>>) target(%dma_start3A_26 : memref<80x768xf32, #tpu.memory_space<hbm>>) target_semaphore(%arg10 : memref<!tpu.dma_semaphore, #tpu.memory_space<semaphore_mem>>)
    %dma_wait3A_27 = arith.constant 1 : i32
    %dma_wait3A_28 = arith.constant 0 : i32
    %dma_wait3A_29 = tpu.memref_slice %arg5[%dma_wait3A_27, %dma_wait3A_28] : memref<2x80xi32, #tpu.memory_space<vmem>> -> memref<1x80xi32, #tpu.memory_space<vmem>>
    %dma_wait3A_30 = tpu.memref_squeeze %dma_wait3A_29 : memref<1x80xi32, #tpu.memory_space<vmem>> -> memref<80xi32, #tpu.memory_space<vmem>>
    %dma_wait3A_31 = arith.constant 0 : i32
    %dma_wait3A_32 = arith.constant 0 : i32
    %dma_wait3A_33 = tpu.memref_slice %arg3[%dma_wait3A_31, %dma_wait3A_32] : memref<4096x768xf32, #tpu.memory_space<hbm>> -> memref<4096x768xf32, #tpu.memory_space<hbm>>
    tpu.wait_indirect_dma semaphore(%arg9 : memref<!tpu.dma_semaphore, #tpu.memory_space<semaphore_mem>>) src(%dma_wait3A_33 : memref<4096x768xf32, #tpu.memory_space<hbm>>) dst(%arg7 : memref<80x768xf32, #tpu.memory_space<vmem>>)
    %dma_start3A_34 = arith.constant 80 : i32
    %dma_start3A_35 = arith.constant 0 : i32
    %dma_start3A_36 = tpu.memref_slice %arg4[%arg1, %arg0, %dma_start3A_34, %dma_start3A_35] : memref<16x2x160x768xf32, #tpu.memory_space<hbm>> -> memref<1x1x80x768xf32, #tpu.memory_space<hbm>>
    %dma_start3A_37 = tpu.memref_squeeze %dma_start3A_36 : memref<1x1x80x768xf32, #tpu.memory_space<hbm>> -> memref<80x768xf32, #tpu.memory_space<hbm>>
    %dma_start3A_38 = arith.constant 80 : i32
    %dma_start3A_39 = arith.constant 0 : i32
    %dma_start3A_40 = tpu.memref_slice %arg4[%arg1, %arg0, %dma_start3A_38, %dma_start3A_39] : memref<16x2x160x768xf32, #tpu.memory_space<hbm>> -> memref<1x1x80x768xf32, #tpu.memory_space<hbm>>
    %dma_start3A_41 = tpu.memref_squeeze %dma_start3A_40 : memref<1x1x80x768xf32, #tpu.memory_space<hbm>> -> memref<80x768xf32, #tpu.memory_space<hbm>>
    tpu.enqueue_dma source(%arg7 : memref<80x768xf32, #tpu.memory_space<vmem>>) target(%dma_start3A_41 : memref<80x768xf32, #tpu.memory_space<hbm>>) target_semaphore(%arg11 : memref<!tpu.dma_semaphore, #tpu.memory_space<semaphore_mem>>)
    %dma_wait3A_42 = arith.constant 0 : i32
    %dma_wait3A_43 = arith.constant 0 : i32
    %dma_wait3A_44 = tpu.memref_slice %arg4[%arg1, %arg0, %dma_wait3A_42, %dma_wait3A_43] : memref<16x2x160x768xf32, #tpu.memory_space<hbm>> -> memref<1x1x80x768xf32, #tpu.memory_space<hbm>>
    %dma_wait3A_45 = tpu.memref_squeeze %dma_wait3A_44 : memref<1x1x80x768xf32, #tpu.memory_space<hbm>> -> memref<80x768xf32, #tpu.memory_space<hbm>>
    %dma_wait3A_46 = arith.constant 0 : i32
    %dma_wait3A_47 = arith.constant 0 : i32
    %dma_wait3A_48 = tpu.memref_slice %arg4[%arg1, %arg0, %dma_wait3A_46, %dma_wait3A_47] : memref<16x2x160x768xf32, #tpu.memory_space<hbm>> -> memref<1x1x80x768xf32, #tpu.memory_space<hbm>>
    %dma_wait3A_49 = tpu.memref_squeeze %dma_wait3A_48 : memref<1x1x80x768xf32, #tpu.memory_space<hbm>> -> memref<80x768xf32, #tpu.memory_space<hbm>>
    tpu.wait_dma2 semaphore(%arg10 : memref<!tpu.dma_semaphore, #tpu.memory_space<semaphore_mem>>) src(%arg6 : memref<80x768xf32, #tpu.memory_space<vmem>>) dst(%dma_wait3A_49 : memref<80x768xf32, #tpu.memory_space<hbm>>)
    %dma_wait3A_50 = arith.constant 80 : i32
    %dma_wait3A_51 = arith.constant 0 : i32
    %dma_wait3A_52 = tpu.memref_slice %arg4[%arg1, %arg0, %dma_wait3A_50, %dma_wait3A_51] : memref<16x2x160x768xf32, #tpu.memory_space<hbm>> -> memref<1x1x80x768xf32, #tpu.memory_space<hbm>>
    %dma_wait3A_53 = tpu.memref_squeeze %dma_wait3A_52 : memref<1x1x80x768xf32, #tpu.memory_space<hbm>> -> memref<80x768xf32, #tpu.memory_space<hbm>>
    %dma_wait3A_54 = arith.constant 80 : i32
    %dma_wait3A_55 = arith.constant 0 : i32
    %dma_wait3A_56 = tpu.memref_slice %arg4[%arg1, %arg0, %dma_wait3A_54, %dma_wait3A_55] : memref<16x2x160x768xf32, #tpu.memory_space<hbm>> -> memref<1x1x80x768xf32, #tpu.memory_space<hbm>>
    %dma_wait3A_57 = tpu.memref_squeeze %dma_wait3A_56 : memref<1x1x80x768xf32, #tpu.memory_space<hbm>> -> memref<80x768xf32, #tpu.memory_space<hbm>>
    tpu.wait_dma2 semaphore(%arg11 : memref<!tpu.dma_semaphore, #tpu.memory_space<semaphore_mem>>) src(%arg7 : memref<80x768xf32, #tpu.memory_space<vmem>>) dst(%dma_wait3A_57 : memref<80x768xf32, #tpu.memory_space<hbm>>)
    return
  }
}

module attributes {stable_mosaic.version = 14 : i64} {
  func.func @_routing_body(%arg0: i32, %arg1: i32, %arg2: memref<1x512x768xf32, #tpu.memory_space<vmem>>, %arg3: memref<768x16xf32, #tpu.memory_space<vmem>>, %arg4: memref<1x512x16xf32, #tpu.memory_space<vmem>>, %arg5: memref<1x512x16xi32, #tpu.memory_space<vmem>>, %arg6: memref<1x160x16xf32, #tpu.memory_space<vmem>>, %arg7: memref<1x160x16xf32, #tpu.memory_space<vmem>>, %arg8: memref<1x1xf32, #tpu.memory_space<vmem>>, %arg9: memref<8x128xf32, #tpu.memory_space<vmem>>) attributes {dimension_semantics = [#tpu.dimension_semantics<arbitrary>, #tpu.dimension_semantics<arbitrary>], iteration_bounds = array<i64: 2, 4>, scalar_prefetch = 0 : i64, scratch_operands = 1 : i64, tpu.core_type = #tpu.core_type<tc>, window_params = [{transform_indices = @transform_0, window_bounds = array<i64: 1, 512, 768>}, {pipeline_mode = #tpu.pipeline_mode<synchronous>, transform_indices = @transform_1, window_bounds = array<i64: 768, 16>}, {transform_indices = @transform_2, window_bounds = array<i64: 1, 512, 16>}, {transform_indices = @transform_3, window_bounds = array<i64: 1, 512, 16>}, {transform_indices = @transform_4, window_bounds = array<i64: 1, 160, 16>}, {transform_indices = @transform_5, window_bounds = array<i64: 1, 160, 16>}, {pipeline_mode = #tpu.pipeline_mode<synchronous>, transform_indices = @transform_6, window_bounds = array<i64: 1, 1>}]} {
    %eq3A = arith.constant 0 : i32
    %eq3A_0 = arith.cmpi eq, %arg1, %eq3A : i32
    %convert_element_type3A = arith.extui %eq3A_0 : i1 to i32
    %cond3A = arith.constant 0 : i32
    %cond3A_1 = arith.cmpi ne, %convert_element_type3A, %cond3A : i32
    scf.if %cond3A_1 {
      %broadcast_in_dim3A_864 = arith.constant 0.000000e+00 : f32
      %broadcast_in_dim3A_865 = vector.broadcast %broadcast_in_dim3A_864 : f32 to vector<3x128xf32>
      %swap3A_866 = arith.constant 0 : index
      %swap3A_867 = arith.constant 0 : index
      %swap3A_868 = vector.load %arg9[%swap3A_866, %swap3A_867] : memref<8x128xf32, #tpu.memory_space<vmem>>, vector<3x128xf32>
      tpu.vector_store %arg9[%swap3A_866, %swap3A_867], %broadcast_in_dim3A_865 {strides = array<i32>} : memref<8x128xf32, #tpu.memory_space<vmem>>, vector<3x128xf32>,
      %broadcast_in_dim3A_869 = arith.constant 0.000000e+00 : f32
      %broadcast_in_dim3A_870 = vector.broadcast %broadcast_in_dim3A_869 : f32 to vector<1x160x16xf32>
      %swap3A_871 = arith.constant 0 : index
      %swap3A_872 = arith.constant 0 : index
      %swap3A_873 = arith.constant 0 : index
      %swap3A_874 = vector.load %arg6[%swap3A_871, %swap3A_872, %swap3A_873] : memref<1x160x16xf32, #tpu.memory_space<vmem>>, vector<1x160x16xf32>
      tpu.vector_store %arg6[%swap3A_871, %swap3A_872, %swap3A_873], %broadcast_in_dim3A_870 {strides = array<i32>} : memref<1x160x16xf32, #tpu.memory_space<vmem>>, vector<1x160x16xf32>,
      %broadcast_in_dim3A_875 = arith.constant 0.000000e+00 : f32
      %broadcast_in_dim3A_876 = vector.broadcast %broadcast_in_dim3A_875 : f32 to vector<1x160x16xf32>
      %swap3A_877 = arith.constant 0 : index
      %swap3A_878 = arith.constant 0 : index
      %swap3A_879 = arith.constant 0 : index
      %swap3A_880 = vector.load %arg7[%swap3A_877, %swap3A_878, %swap3A_879] : memref<1x160x16xf32, #tpu.memory_space<vmem>>, vector<1x160x16xf32>
      tpu.vector_store %arg7[%swap3A_877, %swap3A_878, %swap3A_879], %broadcast_in_dim3A_876 {strides = array<i32>} : memref<1x160x16xf32, #tpu.memory_space<vmem>>, vector<1x160x16xf32>,
      %eq3A_881 = arith.constant 0 : i32
      %eq3A_882 = arith.cmpi eq, %arg0, %eq3A_881 : i32
      %convert_element_type3A_883 = arith.extui %eq3A_882 : i1 to i32
      %cond3A_884 = arith.constant 0 : i32
      %cond3A_885 = arith.cmpi ne, %convert_element_type3A_883, %cond3A_884 : i32
      scf.if %cond3A_885 {
        %broadcast_in_dim3A_886 = arith.constant 0.000000e+00 : f32
        %broadcast_in_dim3A_887 = vector.broadcast %broadcast_in_dim3A_886 : f32 to vector<1x128xf32>
        %swap3A_888 = arith.constant 3 : index
        %swap3A_889 = arith.constant 0 : index
        %swap3A_890 = vector.load %arg9[%swap3A_888, %swap3A_889] : memref<8x128xf32, #tpu.memory_space<vmem>>, vector<1x128xf32>
        tpu.vector_store %arg9[%swap3A_888, %swap3A_889], %broadcast_in_dim3A_887 {strides = array<i32>} : memref<8x128xf32, #tpu.memory_space<vmem>>, vector<1x128xf32>,
      } else {
      }
    } else {
    }
    %get3A = arith.constant 0 : index
    %get3A_2 = arith.constant 0 : index
    %get3A_3 = arith.constant 0 : index
    %get3A_4 = vector.load %arg2[%get3A, %get3A_2, %get3A_3] : memref<1x512x768xf32, #tpu.memory_space<vmem>>, vector<1x512x768xf32>
    %get3A_5 = vector.shape_cast %get3A_4 : vector<1x512x768xf32> to vector<512x768xf32>
    %get3A_6 = arith.constant 0 : index
    %get3A_7 = arith.constant 0 : index
    %get3A_8 = vector.load %arg3[%get3A_6, %get3A_7] : memref<768x16xf32, #tpu.memory_space<vmem>>, vector<768x16xf32>
    %dot_general3A = arith.constant dense<0.000000e+00> : vector<512x16xf32>
    %dot_general3A_9 = tpu.matmul %get3A_5, %get3A_8, %dot_general3A {dimension_numbers = #tpu.dot_dimension_numbers<[1], [0], [0], [1], [0, 0, 1, 1], [], []>, transpose_lhs_hint = false} : vector<512x768xf32>, vector<768x16xf32>, vector<512x16xf32> -> vector<512x16xf32>
    %reduce_max3A = arith.constant dense<0xFF800000> : vector<512xf32>
    %reduce_max3A_10 = vector.multi_reduction <maximumf>, %dot_general3A_9, %reduce_max3A [1] : vector<512x16xf32> to vector<512xf32>
    %broadcast_in_dim3A = vector.shape_cast %reduce_max3A_10 : vector<512xf32> to vector<512x1xf32>
    %sub3A = vector.broadcast %broadcast_in_dim3A : vector<512x1xf32> to vector<512x16xf32>
    %sub3A_11 = arith.subf %dot_general3A_9, %sub3A : vector<512x16xf32>
    %exp3A = math.exp %sub3A_11 : vector<512x16xf32>
    %reduce_sum3A = arith.constant dense<0.000000e+00> : vector<512xf32>
    %reduce_sum3A_12 = vector.multi_reduction <add>, %exp3A, %reduce_sum3A [1] : vector<512x16xf32> to vector<512xf32>
    %broadcast_in_dim3A_13 = vector.shape_cast %reduce_sum3A_12 : vector<512xf32> to vector<512x1xf32>
    %div3A = vector.broadcast %broadcast_in_dim3A_13 : vector<512x1xf32> to vector<512x16xf32>
    %div3A_14 = arith.divf %exp3A, %div3A : vector<512x16xf32>
    %iota3A = tpu.iota {dimensions = array<i32: 1>} : vector<512x16xi32>
    %broadcast_in_dim3A_15 = arith.constant 0.000000e+00 : f32
    %broadcast_in_dim3A_16 = vector.broadcast %broadcast_in_dim3A_15 : f32 to vector<512x16xf32>
    %broadcast_in_dim3A_17 = arith.constant 0.000000e+00 : f32
    %broadcast_in_dim3A_18 = vector.broadcast %broadcast_in_dim3A_17 : f32 to vector<512x16xf32>
    %slice3A = vector.extract_strided_slice %div3A_14 {offsets = [0, 0], sizes = [512, 1], strides = [1, 1]} : vector<512x16xf32> to vector<512x1xf32>
    %gt3A = vector.broadcast %slice3A : vector<512x1xf32> to vector<512x16xf32>
    %gt3A_19 = arith.cmpf ogt, %gt3A, %div3A_14 : vector<512x16xf32>
    %eq3A_20 = vector.broadcast %slice3A : vector<512x1xf32> to vector<512x16xf32>
    %eq3A_21 = arith.cmpf oeq, %eq3A_20, %div3A_14 : vector<512x16xf32>
    %gt3A_22 = arith.constant 0 : i32
    %gt3A_23 = vector.broadcast %gt3A_22 : i32 to vector<512x16xi32>
    %gt3A_24 = arith.cmpi sgt, %iota3A, %gt3A_23 : vector<512x16xi32>
    %and3A = arith.andi %eq3A_21, %gt3A_24 : vector<512x16xi1>
    %or3A = arith.ori %gt3A_19, %and3A : vector<512x16xi1>
    %jit3A = arith.constant 1.000000e+00 : f32
    %jit3A_25 = arith.constant 0.000000e+00 : f32
    %broadcast_in_dim3A_26 = vector.broadcast %jit3A : f32 to vector<512x16xf32>
    %broadcast_in_dim3A_27 = vector.broadcast %jit3A_25 : f32 to vector<512x16xf32>
    %select_n3A = arith.select %or3A, %broadcast_in_dim3A_26, %broadcast_in_dim3A_27 : vector<512x16xi1>, vector<512x16xf32>
    %add3A = arith.addf %broadcast_in_dim3A_16, %select_n3A : vector<512x16xf32>
    %ge3A = arith.constant 0 : i32
    %ge3A_28 = vector.broadcast %ge3A : i32 to vector<512x16xi32>
    %ge3A_29 = arith.cmpi sge, %iota3A, %ge3A_28 : vector<512x16xi32>
    %and3A_30 = arith.andi %eq3A_21, %ge3A_29 : vector<512x16xi1>
    %or3A_31 = arith.ori %gt3A_19, %and3A_30 : vector<512x16xi1>
    %jit3A_32 = arith.constant 0.000000e+00 : f32
    %broadcast_in_dim3A_33 = vector.shape_cast %slice3A : vector<512x1xf32> to vector<512x1xf32>
    %broadcast_in_dim3A_34 = vector.broadcast %broadcast_in_dim3A_33 : vector<512x1xf32> to vector<512x16xf32>
    %broadcast_in_dim3A_35 = vector.broadcast %jit3A_32 : f32 to vector<512x16xf32>
    %select_n3A_36 = arith.select %or3A_31, %broadcast_in_dim3A_34, %broadcast_in_dim3A_35 : vector<512x16xi1>, vector<512x16xf32>
    %add3A_37 = arith.addf %broadcast_in_dim3A_18, %select_n3A_36 : vector<512x16xf32>
    %slice3A_38 = vector.extract_strided_slice %div3A_14 {offsets = [0, 1], sizes = [512, 1], strides = [1, 1]} : vector<512x16xf32> to vector<512x1xf32>
    %gt3A_39 = vector.broadcast %slice3A_38 : vector<512x1xf32> to vector<512x16xf32>
    %gt3A_40 = arith.cmpf ogt, %gt3A_39, %div3A_14 : vector<512x16xf32>
    %eq3A_41 = vector.broadcast %slice3A_38 : vector<512x1xf32> to vector<512x16xf32>
    %eq3A_42 = arith.cmpf oeq, %eq3A_41, %div3A_14 : vector<512x16xf32>
    %gt3A_43 = arith.constant 1 : i32
    %gt3A_44 = vector.broadcast %gt3A_43 : i32 to vector<512x16xi32>
    %gt3A_45 = arith.cmpi sgt, %iota3A, %gt3A_44 : vector<512x16xi32>
    %and3A_46 = arith.andi %eq3A_42, %gt3A_45 : vector<512x16xi1>
    %or3A_47 = arith.ori %gt3A_40, %and3A_46 : vector<512x16xi1>
    %jit3A_48 = arith.constant 1.000000e+00 : f32
    %jit3A_49 = arith.constant 0.000000e+00 : f32
    %broadcast_in_dim3A_50 = vector.broadcast %jit3A_48 : f32 to vector<512x16xf32>
    %broadcast_in_dim3A_51 = vector.broadcast %jit3A_49 : f32 to vector<512x16xf32>
    %select_n3A_52 = arith.select %or3A_47, %broadcast_in_dim3A_50, %broadcast_in_dim3A_51 : vector<512x16xi1>, vector<512x16xf32>
    %add3A_53 = arith.addf %add3A, %select_n3A_52 : vector<512x16xf32>
    %ge3A_54 = arith.constant 1 : i32
    %ge3A_55 = vector.broadcast %ge3A_54 : i32 to vector<512x16xi32>
    %ge3A_56 = arith.cmpi sge, %iota3A, %ge3A_55 : vector<512x16xi32>
    %and3A_57 = arith.andi %eq3A_42, %ge3A_56 : vector<512x16xi1>
    %or3A_58 = arith.ori %gt3A_40, %and3A_57 : vector<512x16xi1>
    %jit3A_59 = arith.constant 0.000000e+00 : f32
    %broadcast_in_dim3A_60 = vector.shape_cast %slice3A_38 : vector<512x1xf32> to vector<512x1xf32>
    %broadcast_in_dim3A_61 = vector.broadcast %broadcast_in_dim3A_60 : vector<512x1xf32> to vector<512x16xf32>
    %broadcast_in_dim3A_62 = vector.broadcast %jit3A_59 : f32 to vector<512x16xf32>
    %select_n3A_63 = arith.select %or3A_58, %broadcast_in_dim3A_61, %broadcast_in_dim3A_62 : vector<512x16xi1>, vector<512x16xf32>
    %add3A_64 = arith.addf %add3A_37, %select_n3A_63 : vector<512x16xf32>
    %slice3A_65 = vector.extract_strided_slice %div3A_14 {offsets = [0, 2], sizes = [512, 1], strides = [1, 1]} : vector<512x16xf32> to vector<512x1xf32>
    %gt3A_66 = vector.broadcast %slice3A_65 : vector<512x1xf32> to vector<512x16xf32>
    %gt3A_67 = arith.cmpf ogt, %gt3A_66, %div3A_14 : vector<512x16xf32>
    %eq3A_68 = vector.broadcast %slice3A_65 : vector<512x1xf32> to vector<512x16xf32>
    %eq3A_69 = arith.cmpf oeq, %eq3A_68, %div3A_14 : vector<512x16xf32>
    %gt3A_70 = arith.constant 2 : i32
    %gt3A_71 = vector.broadcast %gt3A_70 : i32 to vector<512x16xi32>
    %gt3A_72 = arith.cmpi sgt, %iota3A, %gt3A_71 : vector<512x16xi32>
    %and3A_73 = arith.andi %eq3A_69, %gt3A_72 : vector<512x16xi1>
    %or3A_74 = arith.ori %gt3A_67, %and3A_73 : vector<512x16xi1>
    %jit3A_75 = arith.constant 1.000000e+00 : f32
    %jit3A_76 = arith.constant 0.000000e+00 : f32
    %broadcast_in_dim3A_77 = vector.broadcast %jit3A_75 : f32 to vector<512x16xf32>
    %broadcast_in_dim3A_78 = vector.broadcast %jit3A_76 : f32 to vector<512x16xf32>
    %select_n3A_79 = arith.select %or3A_74, %broadcast_in_dim3A_77, %broadcast_in_dim3A_78 : vector<512x16xi1>, vector<512x16xf32>
    %add3A_80 = arith.addf %add3A_53, %select_n3A_79 : vector<512x16xf32>
    %ge3A_81 = arith.constant 2 : i32
    %ge3A_82 = vector.broadcast %ge3A_81 : i32 to vector<512x16xi32>
    %ge3A_83 = arith.cmpi sge, %iota3A, %ge3A_82 : vector<512x16xi32>
    %and3A_84 = arith.andi %eq3A_69, %ge3A_83 : vector<512x16xi1>
    %or3A_85 = arith.ori %gt3A_67, %and3A_84 : vector<512x16xi1>
    %jit3A_86 = arith.constant 0.000000e+00 : f32
    %broadcast_in_dim3A_87 = vector.shape_cast %slice3A_65 : vector<512x1xf32> to vector<512x1xf32>
    %broadcast_in_dim3A_88 = vector.broadcast %broadcast_in_dim3A_87 : vector<512x1xf32> to vector<512x16xf32>
    %broadcast_in_dim3A_89 = vector.broadcast %jit3A_86 : f32 to vector<512x16xf32>
    %select_n3A_90 = arith.select %or3A_85, %broadcast_in_dim3A_88, %broadcast_in_dim3A_89 : vector<512x16xi1>, vector<512x16xf32>
    %add3A_91 = arith.addf %add3A_64, %select_n3A_90 : vector<512x16xf32>
    %slice3A_92 = vector.extract_strided_slice %div3A_14 {offsets = [0, 3], sizes = [512, 1], strides = [1, 1]} : vector<512x16xf32> to vector<512x1xf32>
    %gt3A_93 = vector.broadcast %slice3A_92 : vector<512x1xf32> to vector<512x16xf32>
    %gt3A_94 = arith.cmpf ogt, %gt3A_93, %div3A_14 : vector<512x16xf32>
    %eq3A_95 = vector.broadcast %slice3A_92 : vector<512x1xf32> to vector<512x16xf32>
    %eq3A_96 = arith.cmpf oeq, %eq3A_95, %div3A_14 : vector<512x16xf32>
    %gt3A_97 = arith.constant 3 : i32
    %gt3A_98 = vector.broadcast %gt3A_97 : i32 to vector<512x16xi32>
    %gt3A_99 = arith.cmpi sgt, %iota3A, %gt3A_98 : vector<512x16xi32>
    %and3A_100 = arith.andi %eq3A_96, %gt3A_99 : vector<512x16xi1>
    %or3A_101 = arith.ori %gt3A_94, %and3A_100 : vector<512x16xi1>
    %jit3A_102 = arith.constant 1.000000e+00 : f32
    %jit3A_103 = arith.constant 0.000000e+00 : f32
    %broadcast_in_dim3A_104 = vector.broadcast %jit3A_102 : f32 to vector<512x16xf32>
    %broadcast_in_dim3A_105 = vector.broadcast %jit3A_103 : f32 to vector<512x16xf32>
    %select_n3A_106 = arith.select %or3A_101, %broadcast_in_dim3A_104, %broadcast_in_dim3A_105 : vector<512x16xi1>, vector<512x16xf32>
    %add3A_107 = arith.addf %add3A_80, %select_n3A_106 : vector<512x16xf32>
    %ge3A_108 = arith.constant 3 : i32
    %ge3A_109 = vector.broadcast %ge3A_108 : i32 to vector<512x16xi32>
    %ge3A_110 = arith.cmpi sge, %iota3A, %ge3A_109 : vector<512x16xi32>
    %and3A_111 = arith.andi %eq3A_96, %ge3A_110 : vector<512x16xi1>
    %or3A_112 = arith.ori %gt3A_94, %and3A_111 : vector<512x16xi1>
    %jit3A_113 = arith.constant 0.000000e+00 : f32
    %broadcast_in_dim3A_114 = vector.shape_cast %slice3A_92 : vector<512x1xf32> to vector<512x1xf32>
    %broadcast_in_dim3A_115 = vector.broadcast %broadcast_in_dim3A_114 : vector<512x1xf32> to vector<512x16xf32>
    %broadcast_in_dim3A_116 = vector.broadcast %jit3A_113 : f32 to vector<512x16xf32>
    %select_n3A_117 = arith.select %or3A_112, %broadcast_in_dim3A_115, %broadcast_in_dim3A_116 : vector<512x16xi1>, vector<512x16xf32>
    %add3A_118 = arith.addf %add3A_91, %select_n3A_117 : vector<512x16xf32>
    %slice3A_119 = vector.extract_strided_slice %div3A_14 {offsets = [0, 4], sizes = [512, 1], strides = [1, 1]} : vector<512x16xf32> to vector<512x1xf32>
    %gt3A_120 = vector.broadcast %slice3A_119 : vector<512x1xf32> to vector<512x16xf32>
    %gt3A_121 = arith.cmpf ogt, %gt3A_120, %div3A_14 : vector<512x16xf32>
    %eq3A_122 = vector.broadcast %slice3A_119 : vector<512x1xf32> to vector<512x16xf32>
    %eq3A_123 = arith.cmpf oeq, %eq3A_122, %div3A_14 : vector<512x16xf32>
    %gt3A_124 = arith.constant 4 : i32
    %gt3A_125 = vector.broadcast %gt3A_124 : i32 to vector<512x16xi32>
    %gt3A_126 = arith.cmpi sgt, %iota3A, %gt3A_125 : vector<512x16xi32>
    %and3A_127 = arith.andi %eq3A_123, %gt3A_126 : vector<512x16xi1>
    %or3A_128 = arith.ori %gt3A_121, %and3A_127 : vector<512x16xi1>
    %jit3A_129 = arith.constant 1.000000e+00 : f32
    %jit3A_130 = arith.constant 0.000000e+00 : f32
    %broadcast_in_dim3A_131 = vector.broadcast %jit3A_129 : f32 to vector<512x16xf32>
    %broadcast_in_dim3A_132 = vector.broadcast %jit3A_130 : f32 to vector<512x16xf32>
    %select_n3A_133 = arith.select %or3A_128, %broadcast_in_dim3A_131, %broadcast_in_dim3A_132 : vector<512x16xi1>, vector<512x16xf32>
    %add3A_134 = arith.addf %add3A_107, %select_n3A_133 : vector<512x16xf32>
    %ge3A_135 = arith.constant 4 : i32
    %ge3A_136 = vector.broadcast %ge3A_135 : i32 to vector<512x16xi32>
    %ge3A_137 = arith.cmpi sge, %iota3A, %ge3A_136 : vector<512x16xi32>
    %and3A_138 = arith.andi %eq3A_123, %ge3A_137 : vector<512x16xi1>
    %or3A_139 = arith.ori %gt3A_121, %and3A_138 : vector<512x16xi1>
    %jit3A_140 = arith.constant 0.000000e+00 : f32
    %broadcast_in_dim3A_141 = vector.shape_cast %slice3A_119 : vector<512x1xf32> to vector<512x1xf32>
    %broadcast_in_dim3A_142 = vector.broadcast %broadcast_in_dim3A_141 : vector<512x1xf32> to vector<512x16xf32>
    %broadcast_in_dim3A_143 = vector.broadcast %jit3A_140 : f32 to vector<512x16xf32>
    %select_n3A_144 = arith.select %or3A_139, %broadcast_in_dim3A_142, %broadcast_in_dim3A_143 : vector<512x16xi1>, vector<512x16xf32>
    %add3A_145 = arith.addf %add3A_118, %select_n3A_144 : vector<512x16xf32>
    %slice3A_146 = vector.extract_strided_slice %div3A_14 {offsets = [0, 5], sizes = [512, 1], strides = [1, 1]} : vector<512x16xf32> to vector<512x1xf32>
    %gt3A_147 = vector.broadcast %slice3A_146 : vector<512x1xf32> to vector<512x16xf32>
    %gt3A_148 = arith.cmpf ogt, %gt3A_147, %div3A_14 : vector<512x16xf32>
    %eq3A_149 = vector.broadcast %slice3A_146 : vector<512x1xf32> to vector<512x16xf32>
    %eq3A_150 = arith.cmpf oeq, %eq3A_149, %div3A_14 : vector<512x16xf32>
    %gt3A_151 = arith.constant 5 : i32
    %gt3A_152 = vector.broadcast %gt3A_151 : i32 to vector<512x16xi32>
    %gt3A_153 = arith.cmpi sgt, %iota3A, %gt3A_152 : vector<512x16xi32>
    %and3A_154 = arith.andi %eq3A_150, %gt3A_153 : vector<512x16xi1>
    %or3A_155 = arith.ori %gt3A_148, %and3A_154 : vector<512x16xi1>
    %jit3A_156 = arith.constant 1.000000e+00 : f32
    %jit3A_157 = arith.constant 0.000000e+00 : f32
    %broadcast_in_dim3A_158 = vector.broadcast %jit3A_156 : f32 to vector<512x16xf32>
    %broadcast_in_dim3A_159 = vector.broadcast %jit3A_157 : f32 to vector<512x16xf32>
    %select_n3A_160 = arith.select %or3A_155, %broadcast_in_dim3A_158, %broadcast_in_dim3A_159 : vector<512x16xi1>, vector<512x16xf32>
    %add3A_161 = arith.addf %add3A_134, %select_n3A_160 : vector<512x16xf32>
    %ge3A_162 = arith.constant 5 : i32
    %ge3A_163 = vector.broadcast %ge3A_162 : i32 to vector<512x16xi32>
    %ge3A_164 = arith.cmpi sge, %iota3A, %ge3A_163 : vector<512x16xi32>
    %and3A_165 = arith.andi %eq3A_150, %ge3A_164 : vector<512x16xi1>
    %or3A_166 = arith.ori %gt3A_148, %and3A_165 : vector<512x16xi1>
    %jit3A_167 = arith.constant 0.000000e+00 : f32
    %broadcast_in_dim3A_168 = vector.shape_cast %slice3A_146 : vector<512x1xf32> to vector<512x1xf32>
    %broadcast_in_dim3A_169 = vector.broadcast %broadcast_in_dim3A_168 : vector<512x1xf32> to vector<512x16xf32>
    %broadcast_in_dim3A_170 = vector.broadcast %jit3A_167 : f32 to vector<512x16xf32>
    %select_n3A_171 = arith.select %or3A_166, %broadcast_in_dim3A_169, %broadcast_in_dim3A_170 : vector<512x16xi1>, vector<512x16xf32>
    %add3A_172 = arith.addf %add3A_145, %select_n3A_171 : vector<512x16xf32>
    %slice3A_173 = vector.extract_strided_slice %div3A_14 {offsets = [0, 6], sizes = [512, 1], strides = [1, 1]} : vector<512x16xf32> to vector<512x1xf32>
    %gt3A_174 = vector.broadcast %slice3A_173 : vector<512x1xf32> to vector<512x16xf32>
    %gt3A_175 = arith.cmpf ogt, %gt3A_174, %div3A_14 : vector<512x16xf32>
    %eq3A_176 = vector.broadcast %slice3A_173 : vector<512x1xf32> to vector<512x16xf32>
    %eq3A_177 = arith.cmpf oeq, %eq3A_176, %div3A_14 : vector<512x16xf32>
    %gt3A_178 = arith.constant 6 : i32
    %gt3A_179 = vector.broadcast %gt3A_178 : i32 to vector<512x16xi32>
    %gt3A_180 = arith.cmpi sgt, %iota3A, %gt3A_179 : vector<512x16xi32>
    %and3A_181 = arith.andi %eq3A_177, %gt3A_180 : vector<512x16xi1>
    %or3A_182 = arith.ori %gt3A_175, %and3A_181 : vector<512x16xi1>
    %jit3A_183 = arith.constant 1.000000e+00 : f32
    %jit3A_184 = arith.constant 0.000000e+00 : f32
    %broadcast_in_dim3A_185 = vector.broadcast %jit3A_183 : f32 to vector<512x16xf32>
    %broadcast_in_dim3A_186 = vector.broadcast %jit3A_184 : f32 to vector<512x16xf32>
    %select_n3A_187 = arith.select %or3A_182, %broadcast_in_dim3A_185, %broadcast_in_dim3A_186 : vector<512x16xi1>, vector<512x16xf32>
    %add3A_188 = arith.addf %add3A_161, %select_n3A_187 : vector<512x16xf32>
    %ge3A_189 = arith.constant 6 : i32
    %ge3A_190 = vector.broadcast %ge3A_189 : i32 to vector<512x16xi32>
    %ge3A_191 = arith.cmpi sge, %iota3A, %ge3A_190 : vector<512x16xi32>
    %and3A_192 = arith.andi %eq3A_177, %ge3A_191 : vector<512x16xi1>
    %or3A_193 = arith.ori %gt3A_175, %and3A_192 : vector<512x16xi1>
    %jit3A_194 = arith.constant 0.000000e+00 : f32
    %broadcast_in_dim3A_195 = vector.shape_cast %slice3A_173 : vector<512x1xf32> to vector<512x1xf32>
    %broadcast_in_dim3A_196 = vector.broadcast %broadcast_in_dim3A_195 : vector<512x1xf32> to vector<512x16xf32>
    %broadcast_in_dim3A_197 = vector.broadcast %jit3A_194 : f32 to vector<512x16xf32>
    %select_n3A_198 = arith.select %or3A_193, %broadcast_in_dim3A_196, %broadcast_in_dim3A_197 : vector<512x16xi1>, vector<512x16xf32>
    %add3A_199 = arith.addf %add3A_172, %select_n3A_198 : vector<512x16xf32>
    %slice3A_200 = vector.extract_strided_slice %div3A_14 {offsets = [0, 7], sizes = [512, 1], strides = [1, 1]} : vector<512x16xf32> to vector<512x1xf32>
    %gt3A_201 = vector.broadcast %slice3A_200 : vector<512x1xf32> to vector<512x16xf32>
    %gt3A_202 = arith.cmpf ogt, %gt3A_201, %div3A_14 : vector<512x16xf32>
    %eq3A_203 = vector.broadcast %slice3A_200 : vector<512x1xf32> to vector<512x16xf32>
    %eq3A_204 = arith.cmpf oeq, %eq3A_203, %div3A_14 : vector<512x16xf32>
    %gt3A_205 = arith.constant 7 : i32
    %gt3A_206 = vector.broadcast %gt3A_205 : i32 to vector<512x16xi32>
    %gt3A_207 = arith.cmpi sgt, %iota3A, %gt3A_206 : vector<512x16xi32>
    %and3A_208 = arith.andi %eq3A_204, %gt3A_207 : vector<512x16xi1>
    %or3A_209 = arith.ori %gt3A_202, %and3A_208 : vector<512x16xi1>
    %jit3A_210 = arith.constant 1.000000e+00 : f32
    %jit3A_211 = arith.constant 0.000000e+00 : f32
    %broadcast_in_dim3A_212 = vector.broadcast %jit3A_210 : f32 to vector<512x16xf32>
    %broadcast_in_dim3A_213 = vector.broadcast %jit3A_211 : f32 to vector<512x16xf32>
    %select_n3A_214 = arith.select %or3A_209, %broadcast_in_dim3A_212, %broadcast_in_dim3A_213 : vector<512x16xi1>, vector<512x16xf32>
    %add3A_215 = arith.addf %add3A_188, %select_n3A_214 : vector<512x16xf32>
    %ge3A_216 = arith.constant 7 : i32
    %ge3A_217 = vector.broadcast %ge3A_216 : i32 to vector<512x16xi32>
    %ge3A_218 = arith.cmpi sge, %iota3A, %ge3A_217 : vector<512x16xi32>
    %and3A_219 = arith.andi %eq3A_204, %ge3A_218 : vector<512x16xi1>
    %or3A_220 = arith.ori %gt3A_202, %and3A_219 : vector<512x16xi1>
    %jit3A_221 = arith.constant 0.000000e+00 : f32
    %broadcast_in_dim3A_222 = vector.shape_cast %slice3A_200 : vector<512x1xf32> to vector<512x1xf32>
    %broadcast_in_dim3A_223 = vector.broadcast %broadcast_in_dim3A_222 : vector<512x1xf32> to vector<512x16xf32>
    %broadcast_in_dim3A_224 = vector.broadcast %jit3A_221 : f32 to vector<512x16xf32>
    %select_n3A_225 = arith.select %or3A_220, %broadcast_in_dim3A_223, %broadcast_in_dim3A_224 : vector<512x16xi1>, vector<512x16xf32>
    %add3A_226 = arith.addf %add3A_199, %select_n3A_225 : vector<512x16xf32>
    %slice3A_227 = vector.extract_strided_slice %div3A_14 {offsets = [0, 8], sizes = [512, 1], strides = [1, 1]} : vector<512x16xf32> to vector<512x1xf32>
    %gt3A_228 = vector.broadcast %slice3A_227 : vector<512x1xf32> to vector<512x16xf32>
    %gt3A_229 = arith.cmpf ogt, %gt3A_228, %div3A_14 : vector<512x16xf32>
    %eq3A_230 = vector.broadcast %slice3A_227 : vector<512x1xf32> to vector<512x16xf32>
    %eq3A_231 = arith.cmpf oeq, %eq3A_230, %div3A_14 : vector<512x16xf32>
    %gt3A_232 = arith.constant 8 : i32
    %gt3A_233 = vector.broadcast %gt3A_232 : i32 to vector<512x16xi32>
    %gt3A_234 = arith.cmpi sgt, %iota3A, %gt3A_233 : vector<512x16xi32>
    %and3A_235 = arith.andi %eq3A_231, %gt3A_234 : vector<512x16xi1>
    %or3A_236 = arith.ori %gt3A_229, %and3A_235 : vector<512x16xi1>
    %jit3A_237 = arith.constant 1.000000e+00 : f32
    %jit3A_238 = arith.constant 0.000000e+00 : f32
    %broadcast_in_dim3A_239 = vector.broadcast %jit3A_237 : f32 to vector<512x16xf32>
    %broadcast_in_dim3A_240 = vector.broadcast %jit3A_238 : f32 to vector<512x16xf32>
    %select_n3A_241 = arith.select %or3A_236, %broadcast_in_dim3A_239, %broadcast_in_dim3A_240 : vector<512x16xi1>, vector<512x16xf32>
    %add3A_242 = arith.addf %add3A_215, %select_n3A_241 : vector<512x16xf32>
    %ge3A_243 = arith.constant 8 : i32
    %ge3A_244 = vector.broadcast %ge3A_243 : i32 to vector<512x16xi32>
    %ge3A_245 = arith.cmpi sge, %iota3A, %ge3A_244 : vector<512x16xi32>
    %and3A_246 = arith.andi %eq3A_231, %ge3A_245 : vector<512x16xi1>
    %or3A_247 = arith.ori %gt3A_229, %and3A_246 : vector<512x16xi1>
    %jit3A_248 = arith.constant 0.000000e+00 : f32
    %broadcast_in_dim3A_249 = vector.shape_cast %slice3A_227 : vector<512x1xf32> to vector<512x1xf32>
    %broadcast_in_dim3A_250 = vector.broadcast %broadcast_in_dim3A_249 : vector<512x1xf32> to vector<512x16xf32>
    %broadcast_in_dim3A_251 = vector.broadcast %jit3A_248 : f32 to vector<512x16xf32>
    %select_n3A_252 = arith.select %or3A_247, %broadcast_in_dim3A_250, %broadcast_in_dim3A_251 : vector<512x16xi1>, vector<512x16xf32>
    %add3A_253 = arith.addf %add3A_226, %select_n3A_252 : vector<512x16xf32>
    %slice3A_254 = vector.extract_strided_slice %div3A_14 {offsets = [0, 9], sizes = [512, 1], strides = [1, 1]} : vector<512x16xf32> to vector<512x1xf32>
    %gt3A_255 = vector.broadcast %slice3A_254 : vector<512x1xf32> to vector<512x16xf32>
    %gt3A_256 = arith.cmpf ogt, %gt3A_255, %div3A_14 : vector<512x16xf32>
    %eq3A_257 = vector.broadcast %slice3A_254 : vector<512x1xf32> to vector<512x16xf32>
    %eq3A_258 = arith.cmpf oeq, %eq3A_257, %div3A_14 : vector<512x16xf32>
    %gt3A_259 = arith.constant 9 : i32
    %gt3A_260 = vector.broadcast %gt3A_259 : i32 to vector<512x16xi32>
    %gt3A_261 = arith.cmpi sgt, %iota3A, %gt3A_260 : vector<512x16xi32>
    %and3A_262 = arith.andi %eq3A_258, %gt3A_261 : vector<512x16xi1>
    %or3A_263 = arith.ori %gt3A_256, %and3A_262 : vector<512x16xi1>
    %jit3A_264 = arith.constant 1.000000e+00 : f32
    %jit3A_265 = arith.constant 0.000000e+00 : f32
    %broadcast_in_dim3A_266 = vector.broadcast %jit3A_264 : f32 to vector<512x16xf32>
    %broadcast_in_dim3A_267 = vector.broadcast %jit3A_265 : f32 to vector<512x16xf32>
    %select_n3A_268 = arith.select %or3A_263, %broadcast_in_dim3A_266, %broadcast_in_dim3A_267 : vector<512x16xi1>, vector<512x16xf32>
    %add3A_269 = arith.addf %add3A_242, %select_n3A_268 : vector<512x16xf32>
    %ge3A_270 = arith.constant 9 : i32
    %ge3A_271 = vector.broadcast %ge3A_270 : i32 to vector<512x16xi32>
    %ge3A_272 = arith.cmpi sge, %iota3A, %ge3A_271 : vector<512x16xi32>
    %and3A_273 = arith.andi %eq3A_258, %ge3A_272 : vector<512x16xi1>
    %or3A_274 = arith.ori %gt3A_256, %and3A_273 : vector<512x16xi1>
    %jit3A_275 = arith.constant 0.000000e+00 : f32
    %broadcast_in_dim3A_276 = vector.shape_cast %slice3A_254 : vector<512x1xf32> to vector<512x1xf32>
    %broadcast_in_dim3A_277 = vector.broadcast %broadcast_in_dim3A_276 : vector<512x1xf32> to vector<512x16xf32>
    %broadcast_in_dim3A_278 = vector.broadcast %jit3A_275 : f32 to vector<512x16xf32>
    %select_n3A_279 = arith.select %or3A_274, %broadcast_in_dim3A_277, %broadcast_in_dim3A_278 : vector<512x16xi1>, vector<512x16xf32>
    %add3A_280 = arith.addf %add3A_253, %select_n3A_279 : vector<512x16xf32>
    %slice3A_281 = vector.extract_strided_slice %div3A_14 {offsets = [0, 10], sizes = [512, 1], strides = [1, 1]} : vector<512x16xf32> to vector<512x1xf32>
    %gt3A_282 = vector.broadcast %slice3A_281 : vector<512x1xf32> to vector<512x16xf32>
    %gt3A_283 = arith.cmpf ogt, %gt3A_282, %div3A_14 : vector<512x16xf32>
    %eq3A_284 = vector.broadcast %slice3A_281 : vector<512x1xf32> to vector<512x16xf32>
    %eq3A_285 = arith.cmpf oeq, %eq3A_284, %div3A_14 : vector<512x16xf32>
    %gt3A_286 = arith.constant 10 : i32
    %gt3A_287 = vector.broadcast %gt3A_286 : i32 to vector<512x16xi32>
    %gt3A_288 = arith.cmpi sgt, %iota3A, %gt3A_287 : vector<512x16xi32>
    %and3A_289 = arith.andi %eq3A_285, %gt3A_288 : vector<512x16xi1>
    %or3A_290 = arith.ori %gt3A_283, %and3A_289 : vector<512x16xi1>
    %jit3A_291 = arith.constant 1.000000e+00 : f32
    %jit3A_292 = arith.constant 0.000000e+00 : f32
    %broadcast_in_dim3A_293 = vector.broadcast %jit3A_291 : f32 to vector<512x16xf32>
    %broadcast_in_dim3A_294 = vector.broadcast %jit3A_292 : f32 to vector<512x16xf32>
    %select_n3A_295 = arith.select %or3A_290, %broadcast_in_dim3A_293, %broadcast_in_dim3A_294 : vector<512x16xi1>, vector<512x16xf32>
    %add3A_296 = arith.addf %add3A_269, %select_n3A_295 : vector<512x16xf32>
    %ge3A_297 = arith.constant 10 : i32
    %ge3A_298 = vector.broadcast %ge3A_297 : i32 to vector<512x16xi32>
    %ge3A_299 = arith.cmpi sge, %iota3A, %ge3A_298 : vector<512x16xi32>
    %and3A_300 = arith.andi %eq3A_285, %ge3A_299 : vector<512x16xi1>
    %or3A_301 = arith.ori %gt3A_283, %and3A_300 : vector<512x16xi1>
    %jit3A_302 = arith.constant 0.000000e+00 : f32
    %broadcast_in_dim3A_303 = vector.shape_cast %slice3A_281 : vector<512x1xf32> to vector<512x1xf32>
    %broadcast_in_dim3A_304 = vector.broadcast %broadcast_in_dim3A_303 : vector<512x1xf32> to vector<512x16xf32>
    %broadcast_in_dim3A_305 = vector.broadcast %jit3A_302 : f32 to vector<512x16xf32>
    %select_n3A_306 = arith.select %or3A_301, %broadcast_in_dim3A_304, %broadcast_in_dim3A_305 : vector<512x16xi1>, vector<512x16xf32>
    %add3A_307 = arith.addf %add3A_280, %select_n3A_306 : vector<512x16xf32>
    %slice3A_308 = vector.extract_strided_slice %div3A_14 {offsets = [0, 11], sizes = [512, 1], strides = [1, 1]} : vector<512x16xf32> to vector<512x1xf32>
    %gt3A_309 = vector.broadcast %slice3A_308 : vector<512x1xf32> to vector<512x16xf32>
    %gt3A_310 = arith.cmpf ogt, %gt3A_309, %div3A_14 : vector<512x16xf32>
    %eq3A_311 = vector.broadcast %slice3A_308 : vector<512x1xf32> to vector<512x16xf32>
    %eq3A_312 = arith.cmpf oeq, %eq3A_311, %div3A_14 : vector<512x16xf32>
    %gt3A_313 = arith.constant 11 : i32
    %gt3A_314 = vector.broadcast %gt3A_313 : i32 to vector<512x16xi32>
    %gt3A_315 = arith.cmpi sgt, %iota3A, %gt3A_314 : vector<512x16xi32>
    %and3A_316 = arith.andi %eq3A_312, %gt3A_315 : vector<512x16xi1>
    %or3A_317 = arith.ori %gt3A_310, %and3A_316 : vector<512x16xi1>
    %jit3A_318 = arith.constant 1.000000e+00 : f32
    %jit3A_319 = arith.constant 0.000000e+00 : f32
    %broadcast_in_dim3A_320 = vector.broadcast %jit3A_318 : f32 to vector<512x16xf32>
    %broadcast_in_dim3A_321 = vector.broadcast %jit3A_319 : f32 to vector<512x16xf32>
    %select_n3A_322 = arith.select %or3A_317, %broadcast_in_dim3A_320, %broadcast_in_dim3A_321 : vector<512x16xi1>, vector<512x16xf32>
    %add3A_323 = arith.addf %add3A_296, %select_n3A_322 : vector<512x16xf32>
    %ge3A_324 = arith.constant 11 : i32
    %ge3A_325 = vector.broadcast %ge3A_324 : i32 to vector<512x16xi32>
    %ge3A_326 = arith.cmpi sge, %iota3A, %ge3A_325 : vector<512x16xi32>
    %and3A_327 = arith.andi %eq3A_312, %ge3A_326 : vector<512x16xi1>
    %or3A_328 = arith.ori %gt3A_310, %and3A_327 : vector<512x16xi1>
    %jit3A_329 = arith.constant 0.000000e+00 : f32
    %broadcast_in_dim3A_330 = vector.shape_cast %slice3A_308 : vector<512x1xf32> to vector<512x1xf32>
    %broadcast_in_dim3A_331 = vector.broadcast %broadcast_in_dim3A_330 : vector<512x1xf32> to vector<512x16xf32>
    %broadcast_in_dim3A_332 = vector.broadcast %jit3A_329 : f32 to vector<512x16xf32>
    %select_n3A_333 = arith.select %or3A_328, %broadcast_in_dim3A_331, %broadcast_in_dim3A_332 : vector<512x16xi1>, vector<512x16xf32>
    %add3A_334 = arith.addf %add3A_307, %select_n3A_333 : vector<512x16xf32>
    %slice3A_335 = vector.extract_strided_slice %div3A_14 {offsets = [0, 12], sizes = [512, 1], strides = [1, 1]} : vector<512x16xf32> to vector<512x1xf32>
    %gt3A_336 = vector.broadcast %slice3A_335 : vector<512x1xf32> to vector<512x16xf32>
    %gt3A_337 = arith.cmpf ogt, %gt3A_336, %div3A_14 : vector<512x16xf32>
    %eq3A_338 = vector.broadcast %slice3A_335 : vector<512x1xf32> to vector<512x16xf32>
    %eq3A_339 = arith.cmpf oeq, %eq3A_338, %div3A_14 : vector<512x16xf32>
    %gt3A_340 = arith.constant 12 : i32
    %gt3A_341 = vector.broadcast %gt3A_340 : i32 to vector<512x16xi32>
    %gt3A_342 = arith.cmpi sgt, %iota3A, %gt3A_341 : vector<512x16xi32>
    %and3A_343 = arith.andi %eq3A_339, %gt3A_342 : vector<512x16xi1>
    %or3A_344 = arith.ori %gt3A_337, %and3A_343 : vector<512x16xi1>
    %jit3A_345 = arith.constant 1.000000e+00 : f32
    %jit3A_346 = arith.constant 0.000000e+00 : f32
    %broadcast_in_dim3A_347 = vector.broadcast %jit3A_345 : f32 to vector<512x16xf32>
    %broadcast_in_dim3A_348 = vector.broadcast %jit3A_346 : f32 to vector<512x16xf32>
    %select_n3A_349 = arith.select %or3A_344, %broadcast_in_dim3A_347, %broadcast_in_dim3A_348 : vector<512x16xi1>, vector<512x16xf32>
    %add3A_350 = arith.addf %add3A_323, %select_n3A_349 : vector<512x16xf32>
    %ge3A_351 = arith.constant 12 : i32
    %ge3A_352 = vector.broadcast %ge3A_351 : i32 to vector<512x16xi32>
    %ge3A_353 = arith.cmpi sge, %iota3A, %ge3A_352 : vector<512x16xi32>
    %and3A_354 = arith.andi %eq3A_339, %ge3A_353 : vector<512x16xi1>
    %or3A_355 = arith.ori %gt3A_337, %and3A_354 : vector<512x16xi1>
    %jit3A_356 = arith.constant 0.000000e+00 : f32
    %broadcast_in_dim3A_357 = vector.shape_cast %slice3A_335 : vector<512x1xf32> to vector<512x1xf32>
    %broadcast_in_dim3A_358 = vector.broadcast %broadcast_in_dim3A_357 : vector<512x1xf32> to vector<512x16xf32>
    %broadcast_in_dim3A_359 = vector.broadcast %jit3A_356 : f32 to vector<512x16xf32>
    %select_n3A_360 = arith.select %or3A_355, %broadcast_in_dim3A_358, %broadcast_in_dim3A_359 : vector<512x16xi1>, vector<512x16xf32>
    %add3A_361 = arith.addf %add3A_334, %select_n3A_360 : vector<512x16xf32>
    %slice3A_362 = vector.extract_strided_slice %div3A_14 {offsets = [0, 13], sizes = [512, 1], strides = [1, 1]} : vector<512x16xf32> to vector<512x1xf32>
    %gt3A_363 = vector.broadcast %slice3A_362 : vector<512x1xf32> to vector<512x16xf32>
    %gt3A_364 = arith.cmpf ogt, %gt3A_363, %div3A_14 : vector<512x16xf32>
    %eq3A_365 = vector.broadcast %slice3A_362 : vector<512x1xf32> to vector<512x16xf32>
    %eq3A_366 = arith.cmpf oeq, %eq3A_365, %div3A_14 : vector<512x16xf32>
    %gt3A_367 = arith.constant 13 : i32
    %gt3A_368 = vector.broadcast %gt3A_367 : i32 to vector<512x16xi32>
    %gt3A_369 = arith.cmpi sgt, %iota3A, %gt3A_368 : vector<512x16xi32>
    %and3A_370 = arith.andi %eq3A_366, %gt3A_369 : vector<512x16xi1>
    %or3A_371 = arith.ori %gt3A_364, %and3A_370 : vector<512x16xi1>
    %jit3A_372 = arith.constant 1.000000e+00 : f32
    %jit3A_373 = arith.constant 0.000000e+00 : f32
    %broadcast_in_dim3A_374 = vector.broadcast %jit3A_372 : f32 to vector<512x16xf32>
    %broadcast_in_dim3A_375 = vector.broadcast %jit3A_373 : f32 to vector<512x16xf32>
    %select_n3A_376 = arith.select %or3A_371, %broadcast_in_dim3A_374, %broadcast_in_dim3A_375 : vector<512x16xi1>, vector<512x16xf32>
    %add3A_377 = arith.addf %add3A_350, %select_n3A_376 : vector<512x16xf32>
    %ge3A_378 = arith.constant 13 : i32
    %ge3A_379 = vector.broadcast %ge3A_378 : i32 to vector<512x16xi32>
    %ge3A_380 = arith.cmpi sge, %iota3A, %ge3A_379 : vector<512x16xi32>
    %and3A_381 = arith.andi %eq3A_366, %ge3A_380 : vector<512x16xi1>
    %or3A_382 = arith.ori %gt3A_364, %and3A_381 : vector<512x16xi1>
    %jit3A_383 = arith.constant 0.000000e+00 : f32
    %broadcast_in_dim3A_384 = vector.shape_cast %slice3A_362 : vector<512x1xf32> to vector<512x1xf32>
    %broadcast_in_dim3A_385 = vector.broadcast %broadcast_in_dim3A_384 : vector<512x1xf32> to vector<512x16xf32>
    %broadcast_in_dim3A_386 = vector.broadcast %jit3A_383 : f32 to vector<512x16xf32>
    %select_n3A_387 = arith.select %or3A_382, %broadcast_in_dim3A_385, %broadcast_in_dim3A_386 : vector<512x16xi1>, vector<512x16xf32>
    %add3A_388 = arith.addf %add3A_361, %select_n3A_387 : vector<512x16xf32>
    %slice3A_389 = vector.extract_strided_slice %div3A_14 {offsets = [0, 14], sizes = [512, 1], strides = [1, 1]} : vector<512x16xf32> to vector<512x1xf32>
    %gt3A_390 = vector.broadcast %slice3A_389 : vector<512x1xf32> to vector<512x16xf32>
    %gt3A_391 = arith.cmpf ogt, %gt3A_390, %div3A_14 : vector<512x16xf32>
    %eq3A_392 = vector.broadcast %slice3A_389 : vector<512x1xf32> to vector<512x16xf32>
    %eq3A_393 = arith.cmpf oeq, %eq3A_392, %div3A_14 : vector<512x16xf32>
    %gt3A_394 = arith.constant 14 : i32
    %gt3A_395 = vector.broadcast %gt3A_394 : i32 to vector<512x16xi32>
    %gt3A_396 = arith.cmpi sgt, %iota3A, %gt3A_395 : vector<512x16xi32>
    %and3A_397 = arith.andi %eq3A_393, %gt3A_396 : vector<512x16xi1>
    %or3A_398 = arith.ori %gt3A_391, %and3A_397 : vector<512x16xi1>
    %jit3A_399 = arith.constant 1.000000e+00 : f32
    %jit3A_400 = arith.constant 0.000000e+00 : f32
    %broadcast_in_dim3A_401 = vector.broadcast %jit3A_399 : f32 to vector<512x16xf32>
    %broadcast_in_dim3A_402 = vector.broadcast %jit3A_400 : f32 to vector<512x16xf32>
    %select_n3A_403 = arith.select %or3A_398, %broadcast_in_dim3A_401, %broadcast_in_dim3A_402 : vector<512x16xi1>, vector<512x16xf32>
    %add3A_404 = arith.addf %add3A_377, %select_n3A_403 : vector<512x16xf32>
    %ge3A_405 = arith.constant 14 : i32
    %ge3A_406 = vector.broadcast %ge3A_405 : i32 to vector<512x16xi32>
    %ge3A_407 = arith.cmpi sge, %iota3A, %ge3A_406 : vector<512x16xi32>
    %and3A_408 = arith.andi %eq3A_393, %ge3A_407 : vector<512x16xi1>
    %or3A_409 = arith.ori %gt3A_391, %and3A_408 : vector<512x16xi1>
    %jit3A_410 = arith.constant 0.000000e+00 : f32
    %broadcast_in_dim3A_411 = vector.shape_cast %slice3A_389 : vector<512x1xf32> to vector<512x1xf32>
    %broadcast_in_dim3A_412 = vector.broadcast %broadcast_in_dim3A_411 : vector<512x1xf32> to vector<512x16xf32>
    %broadcast_in_dim3A_413 = vector.broadcast %jit3A_410 : f32 to vector<512x16xf32>
    %select_n3A_414 = arith.select %or3A_409, %broadcast_in_dim3A_412, %broadcast_in_dim3A_413 : vector<512x16xi1>, vector<512x16xf32>
    %add3A_415 = arith.addf %add3A_388, %select_n3A_414 : vector<512x16xf32>
    %slice3A_416 = vector.extract_strided_slice %div3A_14 {offsets = [0, 15], sizes = [512, 1], strides = [1, 1]} : vector<512x16xf32> to vector<512x1xf32>
    %gt3A_417 = vector.broadcast %slice3A_416 : vector<512x1xf32> to vector<512x16xf32>
    %gt3A_418 = arith.cmpf ogt, %gt3A_417, %div3A_14 : vector<512x16xf32>
    %eq3A_419 = vector.broadcast %slice3A_416 : vector<512x1xf32> to vector<512x16xf32>
    %eq3A_420 = arith.cmpf oeq, %eq3A_419, %div3A_14 : vector<512x16xf32>
    %gt3A_421 = arith.constant 15 : i32
    %gt3A_422 = vector.broadcast %gt3A_421 : i32 to vector<512x16xi32>
    %gt3A_423 = arith.cmpi sgt, %iota3A, %gt3A_422 : vector<512x16xi32>
    %and3A_424 = arith.andi %eq3A_420, %gt3A_423 : vector<512x16xi1>
    %or3A_425 = arith.ori %gt3A_418, %and3A_424 : vector<512x16xi1>
    %jit3A_426 = arith.constant 1.000000e+00 : f32
    %jit3A_427 = arith.constant 0.000000e+00 : f32
    %broadcast_in_dim3A_428 = vector.broadcast %jit3A_426 : f32 to vector<512x16xf32>
    %broadcast_in_dim3A_429 = vector.broadcast %jit3A_427 : f32 to vector<512x16xf32>
    %select_n3A_430 = arith.select %or3A_425, %broadcast_in_dim3A_428, %broadcast_in_dim3A_429 : vector<512x16xi1>, vector<512x16xf32>
    %add3A_431 = arith.addf %add3A_404, %select_n3A_430 : vector<512x16xf32>
    %ge3A_432 = arith.constant 15 : i32
    %ge3A_433 = vector.broadcast %ge3A_432 : i32 to vector<512x16xi32>
    %ge3A_434 = arith.cmpi sge, %iota3A, %ge3A_433 : vector<512x16xi32>
    %and3A_435 = arith.andi %eq3A_420, %ge3A_434 : vector<512x16xi1>
    %or3A_436 = arith.ori %gt3A_418, %and3A_435 : vector<512x16xi1>
    %jit3A_437 = arith.constant 0.000000e+00 : f32
    %broadcast_in_dim3A_438 = vector.shape_cast %slice3A_416 : vector<512x1xf32> to vector<512x1xf32>
    %broadcast_in_dim3A_439 = vector.broadcast %broadcast_in_dim3A_438 : vector<512x1xf32> to vector<512x16xf32>
    %broadcast_in_dim3A_440 = vector.broadcast %jit3A_437 : f32 to vector<512x16xf32>
    %select_n3A_441 = arith.select %or3A_436, %broadcast_in_dim3A_439, %broadcast_in_dim3A_440 : vector<512x16xi1>, vector<512x16xf32>
    %add3A_442 = arith.addf %add3A_415, %select_n3A_441 : vector<512x16xf32>
    %lt3A = arith.constant 8.000000e-01 : f32
    %lt3A_443 = vector.broadcast %lt3A : f32 to vector<512x16xf32>
    %lt3A_444 = arith.cmpf olt, %add3A_442, %lt3A_443 : vector<512x16xf32>
    %eq3A_445 = arith.constant 0.000000e+00 : f32
    %eq3A_446 = vector.broadcast %eq3A_445 : f32 to vector<512x16xf32>
    %eq3A_447 = arith.cmpf oeq, %add3A_431, %eq3A_446 : vector<512x16xf32>
    %or3A_448 = arith.ori %lt3A_444, %eq3A_447 : vector<512x16xi1>
    %convert_element_type3A_449 = arith.extui %or3A_448 : vector<512x16xi1> to vector<512x16xi32>
    %convert_element_type3A_450 = arith.sitofp %convert_element_type3A_449 : vector<512x16xi32> to vector<512x16xf32>
    %mul3A = arith.mulf %div3A_14, %convert_element_type3A_450 : vector<512x16xf32>
    %reduce_sum3A_451 = arith.constant dense<0.000000e+00> : vector<512xf32>
    %reduce_sum3A_452 = vector.multi_reduction <add>, %mul3A, %reduce_sum3A_451 [1] : vector<512x16xf32> to vector<512xf32>
    %broadcast_in_dim3A_453 = vector.shape_cast %reduce_sum3A_452 : vector<512xf32> to vector<512x1xf32>
    %jit3A_454 = arith.constant 9.99999971E-10 : f32
    %max3A = vector.broadcast %jit3A_454 : f32 to vector<512x1xf32>
    %max3A_455 = arith.maximumf %max3A, %broadcast_in_dim3A_453 : vector<512x1xf32>
    %mul3A_456 = arith.mulf %div3A_14, %convert_element_type3A_450 : vector<512x16xf32>
    %div3A_457 = vector.broadcast %max3A_455 : vector<512x1xf32> to vector<512x16xf32>
    %div3A_458 = arith.divf %mul3A_456, %div3A_457 : vector<512x16xf32>
    %iota3A_459 = tpu.iota {dimensions = array<i32: 0>} : vector<512x512xi32>
    %iota3A_460 = tpu.iota {dimensions = array<i32: 1>} : vector<512x512xi32>
    %lt3A_461 = arith.cmpi slt, %iota3A_460, %iota3A_459 : vector<512x512xi32>
    %convert_element_type3A_462 = arith.extui %lt3A_461 : vector<512x512xi1> to vector<512x512xi32>
    %convert_element_type3A_463 = arith.sitofp %convert_element_type3A_462 : vector<512x512xi32> to vector<512x512xf32>
    %get3A_464 = arith.constant 0 : index
    %get3A_465 = arith.constant 0 : index
    %get3A_466 = vector.load %arg9[%get3A_464, %get3A_465] : memref<8x128xf32, #tpu.memory_space<vmem>>, vector<1x16xf32>
    %dot_general3A_467 = arith.constant dense<0.000000e+00> : vector<512x16xf32>
    %dot_general3A_468 = tpu.matmul %convert_element_type3A_463, %convert_element_type3A_450, %dot_general3A_467 {dimension_numbers = #tpu.dot_dimension_numbers<[1], [0], [0], [1], [0, 0, 1, 1], [], []>, transpose_lhs_hint = false} : vector<512x512xf32>, vector<512x16xf32>, vector<512x16xf32> -> vector<512x16xf32>
    %add3A_469 = vector.broadcast %get3A_466 : vector<1x16xf32> to vector<512x16xf32>
    %add3A_470 = arith.addf %dot_general3A_468, %add3A_469 : vector<512x16xf32>
    %reduce_sum3A_471 = arith.constant dense<0.000000e+00> : vector<16xf32>
    %reduce_sum3A_472 = vector.multi_reduction <add>, %convert_element_type3A_450, %reduce_sum3A_471 [0] : vector<512x16xf32> to vector<16xf32>
    %broadcast_in_dim3A_473 = vector.shape_cast %reduce_sum3A_472 : vector<16xf32> to vector<1x16xf32>
    %add3A_474 = arith.addf %get3A_466, %broadcast_in_dim3A_473 : vector<1x16xf32>
    %swap3A = arith.constant 0 : index
    %swap3A_475 = arith.constant 0 : index
    %swap3A_476 = vector.load %arg9[%swap3A, %swap3A_475] : memref<8x128xf32, #tpu.memory_space<vmem>>, vector<1x16xf32>
    tpu.vector_store %arg9[%swap3A, %swap3A_475], %add3A_474 {strides = array<i32>} : memref<8x128xf32, #tpu.memory_space<vmem>>, vector<1x16xf32>,
    %lt3A_477 = arith.constant 1.600000e+02 : f32
    %lt3A_478 = vector.broadcast %lt3A_477 : f32 to vector<512x16xf32>
    %lt3A_479 = arith.cmpf olt, %add3A_470, %lt3A_478 : vector<512x16xf32>
    %and3A_480 = arith.andi %lt3A_479, %or3A_448 : vector<512x16xi1>
    %convert_element_type3A_481 = arith.extui %and3A_480 : vector<512x16xi1> to vector<512x16xi32>
    %convert_element_type3A_482 = arith.sitofp %convert_element_type3A_481 : vector<512x16xi32> to vector<512x16xf32>
    %mul3A_483 = arith.mulf %div3A_458, %convert_element_type3A_482 : vector<512x16xf32>
    %swap3A_484 = arith.constant 0 : index
    %swap3A_485 = arith.constant 0 : index
    %swap3A_486 = arith.constant 0 : index
    %swap3A_487 = vector.load %arg4[%swap3A_484, %swap3A_485, %swap3A_486] : memref<1x512x16xf32, #tpu.memory_space<vmem>>, vector<1x512x16xf32>
    %swap3A_488 = vector.shape_cast %swap3A_487 : vector<1x512x16xf32> to vector<512x16xf32>
    %swap3A_489 = vector.shape_cast %mul3A_483 : vector<512x16xf32> to vector<1x512x16xf32>
    tpu.vector_store %arg4[%swap3A_484, %swap3A_485, %swap3A_486], %swap3A_489 {strides = array<i32>} : memref<1x512x16xf32, #tpu.memory_space<vmem>>, vector<1x512x16xf32>,
    %min3A = arith.constant 1.590000e+02 : f32
    %min3A_490 = vector.broadcast %min3A : f32 to vector<512x16xf32>
    %min3A_491 = arith.minimumf %add3A_470, %min3A_490 : vector<512x16xf32>
    %convert_element_type3A_492 = arith.fptosi %min3A_491 : vector<512x16xf32> to vector<512x16xi32>
    %swap3A_493 = arith.constant 0 : index
    %swap3A_494 = arith.constant 0 : index
    %swap3A_495 = arith.constant 0 : index
    %swap3A_496 = vector.load %arg5[%swap3A_493, %swap3A_494, %swap3A_495] : memref<1x512x16xi32, #tpu.memory_space<vmem>>, vector<1x512x16xi32>
    %swap3A_497 = vector.shape_cast %swap3A_496 : vector<1x512x16xi32> to vector<512x16xi32>
    %swap3A_498 = vector.shape_cast %convert_element_type3A_492 : vector<512x16xi32> to vector<1x512x16xi32>
    tpu.vector_store %arg5[%swap3A_493, %swap3A_494, %swap3A_495], %swap3A_498 {strides = array<i32>} : memref<1x512x16xi32, #tpu.memory_space<vmem>>, vector<1x512x16xi32>,
    %iota3A_499 = tpu.iota {dimensions = array<i32: 1>} : vector<512x160xi32>
    %convert_element_type3A_500 = arith.sitofp %iota3A_499 : vector<512x160xi32> to vector<512x160xf32>
    %mul3A_501 = arith.constant 2048 : i32
    %mul3A_502 = arith.muli %arg0, %mul3A_501 : i32
    %mul3A_503 = arith.constant 512 : i32
    %mul3A_504 = arith.muli %arg1, %mul3A_503 : i32
    %add3A_505 = arith.addi %mul3A_502, %mul3A_504 : i32
    %iota3A_506 = tpu.iota {dimensions = array<i32: 0>} : vector<512x1xi32>
    %add3A_507 = vector.broadcast %add3A_505 : i32 to vector<512x1xi32>
    %add3A_508 = arith.addi %add3A_507, %iota3A_506 : vector<512x1xi32>
    %convert_element_type3A_509 = arith.sitofp %add3A_508 : vector<512x1xi32> to vector<512x1xf32>
    %slice3A_510 = vector.extract_strided_slice %add3A_470 {offsets = [0, 0], sizes = [512, 1], strides = [1, 1]} : vector<512x16xf32> to vector<512x1xf32>
    %eq3A_511 = vector.broadcast %slice3A_510 : vector<512x1xf32> to vector<512x160xf32>
    %eq3A_512 = arith.cmpf oeq, %convert_element_type3A_500, %eq3A_511 : vector<512x160xf32>
    %slice3A_513 = vector.extract_strided_slice %convert_element_type3A_482 {offsets = [0, 0], sizes = [512, 1], strides = [1, 1]} : vector<512x16xf32> to vector<512x1xf32>
    %gt3A_514 = arith.constant 0.000000e+00 : f32
    %gt3A_515 = vector.broadcast %gt3A_514 : f32 to vector<512x1xf32>
    %gt3A_516 = arith.cmpf ogt, %slice3A_513, %gt3A_515 : vector<512x1xf32>
    %and3A_517 = vector.broadcast %gt3A_516 : vector<512x1xi1> to vector<512x160xi1>
    %and3A_518 = arith.andi %eq3A_512, %and3A_517 : vector<512x160xi1>
    %jit3A_519 = arith.constant 1.000000e+00 : f32
    %jit3A_520 = arith.constant 0.000000e+00 : f32
    %broadcast_in_dim3A_521 = vector.broadcast %jit3A_519 : f32 to vector<512x160xf32>
    %broadcast_in_dim3A_522 = vector.broadcast %jit3A_520 : f32 to vector<512x160xf32>
    %select_n3A_523 = arith.select %and3A_518, %broadcast_in_dim3A_521, %broadcast_in_dim3A_522 : vector<512x160xi1>, vector<512x160xf32>
    %dot_general3A_524 = arith.constant dense<0.000000e+00> : vector<160x1xf32>
    %dot_general3A_525 = tpu.matmul %select_n3A_523, %convert_element_type3A_509, %dot_general3A_524 {dimension_numbers = #tpu.dot_dimension_numbers<[0], [0], [1], [1], [0, 1, 1, 1], [], []>, precision = #tpu.contract_precision<fp32>, transpose_lhs_hint = false} : vector<512x160xf32>, vector<512x1xf32>, vector<160x1xf32> -> vector<160x1xf32>
    %slice3A_526 = vector.extract_strided_slice %mul3A_483 {offsets = [0, 0], sizes = [512, 1], strides = [1, 1]} : vector<512x16xf32> to vector<512x1xf32>
    %dot_general3A_527 = arith.constant dense<0.000000e+00> : vector<160x1xf32>
    %dot_general3A_528 = tpu.matmul %select_n3A_523, %slice3A_526, %dot_general3A_527 {dimension_numbers = #tpu.dot_dimension_numbers<[0], [0], [1], [1], [0, 1, 1, 1], [], []>, precision = #tpu.contract_precision<fp32>, transpose_lhs_hint = false} : vector<512x160xf32>, vector<512x1xf32>, vector<160x1xf32> -> vector<160x1xf32>
    %slice3A_529 = vector.extract_strided_slice %add3A_470 {offsets = [0, 1], sizes = [512, 1], strides = [1, 1]} : vector<512x16xf32> to vector<512x1xf32>
    %eq3A_530 = vector.broadcast %slice3A_529 : vector<512x1xf32> to vector<512x160xf32>
    %eq3A_531 = arith.cmpf oeq, %convert_element_type3A_500, %eq3A_530 : vector<512x160xf32>
    %slice3A_532 = vector.extract_strided_slice %convert_element_type3A_482 {offsets = [0, 1], sizes = [512, 1], strides = [1, 1]} : vector<512x16xf32> to vector<512x1xf32>
    %gt3A_533 = arith.constant 0.000000e+00 : f32
    %gt3A_534 = vector.broadcast %gt3A_533 : f32 to vector<512x1xf32>
    %gt3A_535 = arith.cmpf ogt, %slice3A_532, %gt3A_534 : vector<512x1xf32>
    %and3A_536 = vector.broadcast %gt3A_535 : vector<512x1xi1> to vector<512x160xi1>
    %and3A_537 = arith.andi %eq3A_531, %and3A_536 : vector<512x160xi1>
    %jit3A_538 = arith.constant 1.000000e+00 : f32
    %jit3A_539 = arith.constant 0.000000e+00 : f32
    %broadcast_in_dim3A_540 = vector.broadcast %jit3A_538 : f32 to vector<512x160xf32>
    %broadcast_in_dim3A_541 = vector.broadcast %jit3A_539 : f32 to vector<512x160xf32>
    %select_n3A_542 = arith.select %and3A_537, %broadcast_in_dim3A_540, %broadcast_in_dim3A_541 : vector<512x160xi1>, vector<512x160xf32>
    %dot_general3A_543 = arith.constant dense<0.000000e+00> : vector<160x1xf32>
    %dot_general3A_544 = tpu.matmul %select_n3A_542, %convert_element_type3A_509, %dot_general3A_543 {dimension_numbers = #tpu.dot_dimension_numbers<[0], [0], [1], [1], [0, 1, 1, 1], [], []>, precision = #tpu.contract_precision<fp32>, transpose_lhs_hint = false} : vector<512x160xf32>, vector<512x1xf32>, vector<160x1xf32> -> vector<160x1xf32>
    %slice3A_545 = vector.extract_strided_slice %mul3A_483 {offsets = [0, 1], sizes = [512, 1], strides = [1, 1]} : vector<512x16xf32> to vector<512x1xf32>
    %dot_general3A_546 = arith.constant dense<0.000000e+00> : vector<160x1xf32>
    %dot_general3A_547 = tpu.matmul %select_n3A_542, %slice3A_545, %dot_general3A_546 {dimension_numbers = #tpu.dot_dimension_numbers<[0], [0], [1], [1], [0, 1, 1, 1], [], []>, precision = #tpu.contract_precision<fp32>, transpose_lhs_hint = false} : vector<512x160xf32>, vector<512x1xf32>, vector<160x1xf32> -> vector<160x1xf32>
    %slice3A_548 = vector.extract_strided_slice %add3A_470 {offsets = [0, 2], sizes = [512, 1], strides = [1, 1]} : vector<512x16xf32> to vector<512x1xf32>
    %eq3A_549 = vector.broadcast %slice3A_548 : vector<512x1xf32> to vector<512x160xf32>
    %eq3A_550 = arith.cmpf oeq, %convert_element_type3A_500, %eq3A_549 : vector<512x160xf32>
    %slice3A_551 = vector.extract_strided_slice %convert_element_type3A_482 {offsets = [0, 2], sizes = [512, 1], strides = [1, 1]} : vector<512x16xf32> to vector<512x1xf32>
    %gt3A_552 = arith.constant 0.000000e+00 : f32
    %gt3A_553 = vector.broadcast %gt3A_552 : f32 to vector<512x1xf32>
    %gt3A_554 = arith.cmpf ogt, %slice3A_551, %gt3A_553 : vector<512x1xf32>
    %and3A_555 = vector.broadcast %gt3A_554 : vector<512x1xi1> to vector<512x160xi1>
    %and3A_556 = arith.andi %eq3A_550, %and3A_555 : vector<512x160xi1>
    %jit3A_557 = arith.constant 1.000000e+00 : f32
    %jit3A_558 = arith.constant 0.000000e+00 : f32
    %broadcast_in_dim3A_559 = vector.broadcast %jit3A_557 : f32 to vector<512x160xf32>
    %broadcast_in_dim3A_560 = vector.broadcast %jit3A_558 : f32 to vector<512x160xf32>
    %select_n3A_561 = arith.select %and3A_556, %broadcast_in_dim3A_559, %broadcast_in_dim3A_560 : vector<512x160xi1>, vector<512x160xf32>
    %dot_general3A_562 = arith.constant dense<0.000000e+00> : vector<160x1xf32>
    %dot_general3A_563 = tpu.matmul %select_n3A_561, %convert_element_type3A_509, %dot_general3A_562 {dimension_numbers = #tpu.dot_dimension_numbers<[0], [0], [1], [1], [0, 1, 1, 1], [], []>, precision = #tpu.contract_precision<fp32>, transpose_lhs_hint = false} : vector<512x160xf32>, vector<512x1xf32>, vector<160x1xf32> -> vector<160x1xf32>
    %slice3A_564 = vector.extract_strided_slice %mul3A_483 {offsets = [0, 2], sizes = [512, 1], strides = [1, 1]} : vector<512x16xf32> to vector<512x1xf32>
    %dot_general3A_565 = arith.constant dense<0.000000e+00> : vector<160x1xf32>
    %dot_general3A_566 = tpu.matmul %select_n3A_561, %slice3A_564, %dot_general3A_565 {dimension_numbers = #tpu.dot_dimension_numbers<[0], [0], [1], [1], [0, 1, 1, 1], [], []>, precision = #tpu.contract_precision<fp32>, transpose_lhs_hint = false} : vector<512x160xf32>, vector<512x1xf32>, vector<160x1xf32> -> vector<160x1xf32>
    %slice3A_567 = vector.extract_strided_slice %add3A_470 {offsets = [0, 3], sizes = [512, 1], strides = [1, 1]} : vector<512x16xf32> to vector<512x1xf32>
    %eq3A_568 = vector.broadcast %slice3A_567 : vector<512x1xf32> to vector<512x160xf32>
    %eq3A_569 = arith.cmpf oeq, %convert_element_type3A_500, %eq3A_568 : vector<512x160xf32>
    %slice3A_570 = vector.extract_strided_slice %convert_element_type3A_482 {offsets = [0, 3], sizes = [512, 1], strides = [1, 1]} : vector<512x16xf32> to vector<512x1xf32>
    %gt3A_571 = arith.constant 0.000000e+00 : f32
    %gt3A_572 = vector.broadcast %gt3A_571 : f32 to vector<512x1xf32>
    %gt3A_573 = arith.cmpf ogt, %slice3A_570, %gt3A_572 : vector<512x1xf32>
    %and3A_574 = vector.broadcast %gt3A_573 : vector<512x1xi1> to vector<512x160xi1>
    %and3A_575 = arith.andi %eq3A_569, %and3A_574 : vector<512x160xi1>
    %jit3A_576 = arith.constant 1.000000e+00 : f32
    %jit3A_577 = arith.constant 0.000000e+00 : f32
    %broadcast_in_dim3A_578 = vector.broadcast %jit3A_576 : f32 to vector<512x160xf32>
    %broadcast_in_dim3A_579 = vector.broadcast %jit3A_577 : f32 to vector<512x160xf32>
    %select_n3A_580 = arith.select %and3A_575, %broadcast_in_dim3A_578, %broadcast_in_dim3A_579 : vector<512x160xi1>, vector<512x160xf32>
    %dot_general3A_581 = arith.constant dense<0.000000e+00> : vector<160x1xf32>
    %dot_general3A_582 = tpu.matmul %select_n3A_580, %convert_element_type3A_509, %dot_general3A_581 {dimension_numbers = #tpu.dot_dimension_numbers<[0], [0], [1], [1], [0, 1, 1, 1], [], []>, precision = #tpu.contract_precision<fp32>, transpose_lhs_hint = false} : vector<512x160xf32>, vector<512x1xf32>, vector<160x1xf32> -> vector<160x1xf32>
    %slice3A_583 = vector.extract_strided_slice %mul3A_483 {offsets = [0, 3], sizes = [512, 1], strides = [1, 1]} : vector<512x16xf32> to vector<512x1xf32>
    %dot_general3A_584 = arith.constant dense<0.000000e+00> : vector<160x1xf32>
    %dot_general3A_585 = tpu.matmul %select_n3A_580, %slice3A_583, %dot_general3A_584 {dimension_numbers = #tpu.dot_dimension_numbers<[0], [0], [1], [1], [0, 1, 1, 1], [], []>, precision = #tpu.contract_precision<fp32>, transpose_lhs_hint = false} : vector<512x160xf32>, vector<512x1xf32>, vector<160x1xf32> -> vector<160x1xf32>
    %slice3A_586 = vector.extract_strided_slice %add3A_470 {offsets = [0, 4], sizes = [512, 1], strides = [1, 1]} : vector<512x16xf32> to vector<512x1xf32>
    %eq3A_587 = vector.broadcast %slice3A_586 : vector<512x1xf32> to vector<512x160xf32>
    %eq3A_588 = arith.cmpf oeq, %convert_element_type3A_500, %eq3A_587 : vector<512x160xf32>
    %slice3A_589 = vector.extract_strided_slice %convert_element_type3A_482 {offsets = [0, 4], sizes = [512, 1], strides = [1, 1]} : vector<512x16xf32> to vector<512x1xf32>
    %gt3A_590 = arith.constant 0.000000e+00 : f32
    %gt3A_591 = vector.broadcast %gt3A_590 : f32 to vector<512x1xf32>
    %gt3A_592 = arith.cmpf ogt, %slice3A_589, %gt3A_591 : vector<512x1xf32>
    %and3A_593 = vector.broadcast %gt3A_592 : vector<512x1xi1> to vector<512x160xi1>
    %and3A_594 = arith.andi %eq3A_588, %and3A_593 : vector<512x160xi1>
    %jit3A_595 = arith.constant 1.000000e+00 : f32
    %jit3A_596 = arith.constant 0.000000e+00 : f32
    %broadcast_in_dim3A_597 = vector.broadcast %jit3A_595 : f32 to vector<512x160xf32>
    %broadcast_in_dim3A_598 = vector.broadcast %jit3A_596 : f32 to vector<512x160xf32>
    %select_n3A_599 = arith.select %and3A_594, %broadcast_in_dim3A_597, %broadcast_in_dim3A_598 : vector<512x160xi1>, vector<512x160xf32>
    %dot_general3A_600 = arith.constant dense<0.000000e+00> : vector<160x1xf32>
    %dot_general3A_601 = tpu.matmul %select_n3A_599, %convert_element_type3A_509, %dot_general3A_600 {dimension_numbers = #tpu.dot_dimension_numbers<[0], [0], [1], [1], [0, 1, 1, 1], [], []>, precision = #tpu.contract_precision<fp32>, transpose_lhs_hint = false} : vector<512x160xf32>, vector<512x1xf32>, vector<160x1xf32> -> vector<160x1xf32>
    %slice3A_602 = vector.extract_strided_slice %mul3A_483 {offsets = [0, 4], sizes = [512, 1], strides = [1, 1]} : vector<512x16xf32> to vector<512x1xf32>
    %dot_general3A_603 = arith.constant dense<0.000000e+00> : vector<160x1xf32>
    %dot_general3A_604 = tpu.matmul %select_n3A_599, %slice3A_602, %dot_general3A_603 {dimension_numbers = #tpu.dot_dimension_numbers<[0], [0], [1], [1], [0, 1, 1, 1], [], []>, precision = #tpu.contract_precision<fp32>, transpose_lhs_hint = false} : vector<512x160xf32>, vector<512x1xf32>, vector<160x1xf32> -> vector<160x1xf32>
    %slice3A_605 = vector.extract_strided_slice %add3A_470 {offsets = [0, 5], sizes = [512, 1], strides = [1, 1]} : vector<512x16xf32> to vector<512x1xf32>
    %eq3A_606 = vector.broadcast %slice3A_605 : vector<512x1xf32> to vector<512x160xf32>
    %eq3A_607 = arith.cmpf oeq, %convert_element_type3A_500, %eq3A_606 : vector<512x160xf32>
    %slice3A_608 = vector.extract_strided_slice %convert_element_type3A_482 {offsets = [0, 5], sizes = [512, 1], strides = [1, 1]} : vector<512x16xf32> to vector<512x1xf32>
    %gt3A_609 = arith.constant 0.000000e+00 : f32
    %gt3A_610 = vector.broadcast %gt3A_609 : f32 to vector<512x1xf32>
    %gt3A_611 = arith.cmpf ogt, %slice3A_608, %gt3A_610 : vector<512x1xf32>
    %and3A_612 = vector.broadcast %gt3A_611 : vector<512x1xi1> to vector<512x160xi1>
    %and3A_613 = arith.andi %eq3A_607, %and3A_612 : vector<512x160xi1>
    %jit3A_614 = arith.constant 1.000000e+00 : f32
    %jit3A_615 = arith.constant 0.000000e+00 : f32
    %broadcast_in_dim3A_616 = vector.broadcast %jit3A_614 : f32 to vector<512x160xf32>
    %broadcast_in_dim3A_617 = vector.broadcast %jit3A_615 : f32 to vector<512x160xf32>
    %select_n3A_618 = arith.select %and3A_613, %broadcast_in_dim3A_616, %broadcast_in_dim3A_617 : vector<512x160xi1>, vector<512x160xf32>
    %dot_general3A_619 = arith.constant dense<0.000000e+00> : vector<160x1xf32>
    %dot_general3A_620 = tpu.matmul %select_n3A_618, %convert_element_type3A_509, %dot_general3A_619 {dimension_numbers = #tpu.dot_dimension_numbers<[0], [0], [1], [1], [0, 1, 1, 1], [], []>, precision = #tpu.contract_precision<fp32>, transpose_lhs_hint = false} : vector<512x160xf32>, vector<512x1xf32>, vector<160x1xf32> -> vector<160x1xf32>
    %slice3A_621 = vector.extract_strided_slice %mul3A_483 {offsets = [0, 5], sizes = [512, 1], strides = [1, 1]} : vector<512x16xf32> to vector<512x1xf32>
    %dot_general3A_622 = arith.constant dense<0.000000e+00> : vector<160x1xf32>
    %dot_general3A_623 = tpu.matmul %select_n3A_618, %slice3A_621, %dot_general3A_622 {dimension_numbers = #tpu.dot_dimension_numbers<[0], [0], [1], [1], [0, 1, 1, 1], [], []>, precision = #tpu.contract_precision<fp32>, transpose_lhs_hint = false} : vector<512x160xf32>, vector<512x1xf32>, vector<160x1xf32> -> vector<160x1xf32>
    %slice3A_624 = vector.extract_strided_slice %add3A_470 {offsets = [0, 6], sizes = [512, 1], strides = [1, 1]} : vector<512x16xf32> to vector<512x1xf32>
    %eq3A_625 = vector.broadcast %slice3A_624 : vector<512x1xf32> to vector<512x160xf32>
    %eq3A_626 = arith.cmpf oeq, %convert_element_type3A_500, %eq3A_625 : vector<512x160xf32>
    %slice3A_627 = vector.extract_strided_slice %convert_element_type3A_482 {offsets = [0, 6], sizes = [512, 1], strides = [1, 1]} : vector<512x16xf32> to vector<512x1xf32>
    %gt3A_628 = arith.constant 0.000000e+00 : f32
    %gt3A_629 = vector.broadcast %gt3A_628 : f32 to vector<512x1xf32>
    %gt3A_630 = arith.cmpf ogt, %slice3A_627, %gt3A_629 : vector<512x1xf32>
    %and3A_631 = vector.broadcast %gt3A_630 : vector<512x1xi1> to vector<512x160xi1>
    %and3A_632 = arith.andi %eq3A_626, %and3A_631 : vector<512x160xi1>
    %jit3A_633 = arith.constant 1.000000e+00 : f32
    %jit3A_634 = arith.constant 0.000000e+00 : f32
    %broadcast_in_dim3A_635 = vector.broadcast %jit3A_633 : f32 to vector<512x160xf32>
    %broadcast_in_dim3A_636 = vector.broadcast %jit3A_634 : f32 to vector<512x160xf32>
    %select_n3A_637 = arith.select %and3A_632, %broadcast_in_dim3A_635, %broadcast_in_dim3A_636 : vector<512x160xi1>, vector<512x160xf32>
    %dot_general3A_638 = arith.constant dense<0.000000e+00> : vector<160x1xf32>
    %dot_general3A_639 = tpu.matmul %select_n3A_637, %convert_element_type3A_509, %dot_general3A_638 {dimension_numbers = #tpu.dot_dimension_numbers<[0], [0], [1], [1], [0, 1, 1, 1], [], []>, precision = #tpu.contract_precision<fp32>, transpose_lhs_hint = false} : vector<512x160xf32>, vector<512x1xf32>, vector<160x1xf32> -> vector<160x1xf32>
    %slice3A_640 = vector.extract_strided_slice %mul3A_483 {offsets = [0, 6], sizes = [512, 1], strides = [1, 1]} : vector<512x16xf32> to vector<512x1xf32>
    %dot_general3A_641 = arith.constant dense<0.000000e+00> : vector<160x1xf32>
    %dot_general3A_642 = tpu.matmul %select_n3A_637, %slice3A_640, %dot_general3A_641 {dimension_numbers = #tpu.dot_dimension_numbers<[0], [0], [1], [1], [0, 1, 1, 1], [], []>, precision = #tpu.contract_precision<fp32>, transpose_lhs_hint = false} : vector<512x160xf32>, vector<512x1xf32>, vector<160x1xf32> -> vector<160x1xf32>
    %slice3A_643 = vector.extract_strided_slice %add3A_470 {offsets = [0, 7], sizes = [512, 1], strides = [1, 1]} : vector<512x16xf32> to vector<512x1xf32>
    %eq3A_644 = vector.broadcast %slice3A_643 : vector<512x1xf32> to vector<512x160xf32>
    %eq3A_645 = arith.cmpf oeq, %convert_element_type3A_500, %eq3A_644 : vector<512x160xf32>
    %slice3A_646 = vector.extract_strided_slice %convert_element_type3A_482 {offsets = [0, 7], sizes = [512, 1], strides = [1, 1]} : vector<512x16xf32> to vector<512x1xf32>
    %gt3A_647 = arith.constant 0.000000e+00 : f32
    %gt3A_648 = vector.broadcast %gt3A_647 : f32 to vector<512x1xf32>
    %gt3A_649 = arith.cmpf ogt, %slice3A_646, %gt3A_648 : vector<512x1xf32>
    %and3A_650 = vector.broadcast %gt3A_649 : vector<512x1xi1> to vector<512x160xi1>
    %and3A_651 = arith.andi %eq3A_645, %and3A_650 : vector<512x160xi1>
    %jit3A_652 = arith.constant 1.000000e+00 : f32
    %jit3A_653 = arith.constant 0.000000e+00 : f32
    %broadcast_in_dim3A_654 = vector.broadcast %jit3A_652 : f32 to vector<512x160xf32>
    %broadcast_in_dim3A_655 = vector.broadcast %jit3A_653 : f32 to vector<512x160xf32>
    %select_n3A_656 = arith.select %and3A_651, %broadcast_in_dim3A_654, %broadcast_in_dim3A_655 : vector<512x160xi1>, vector<512x160xf32>
    %dot_general3A_657 = arith.constant dense<0.000000e+00> : vector<160x1xf32>
    %dot_general3A_658 = tpu.matmul %select_n3A_656, %convert_element_type3A_509, %dot_general3A_657 {dimension_numbers = #tpu.dot_dimension_numbers<[0], [0], [1], [1], [0, 1, 1, 1], [], []>, precision = #tpu.contract_precision<fp32>, transpose_lhs_hint = false} : vector<512x160xf32>, vector<512x1xf32>, vector<160x1xf32> -> vector<160x1xf32>
    %slice3A_659 = vector.extract_strided_slice %mul3A_483 {offsets = [0, 7], sizes = [512, 1], strides = [1, 1]} : vector<512x16xf32> to vector<512x1xf32>
    %dot_general3A_660 = arith.constant dense<0.000000e+00> : vector<160x1xf32>
    %dot_general3A_661 = tpu.matmul %select_n3A_656, %slice3A_659, %dot_general3A_660 {dimension_numbers = #tpu.dot_dimension_numbers<[0], [0], [1], [1], [0, 1, 1, 1], [], []>, precision = #tpu.contract_precision<fp32>, transpose_lhs_hint = false} : vector<512x160xf32>, vector<512x1xf32>, vector<160x1xf32> -> vector<160x1xf32>
    %slice3A_662 = vector.extract_strided_slice %add3A_470 {offsets = [0, 8], sizes = [512, 1], strides = [1, 1]} : vector<512x16xf32> to vector<512x1xf32>
    %eq3A_663 = vector.broadcast %slice3A_662 : vector<512x1xf32> to vector<512x160xf32>
    %eq3A_664 = arith.cmpf oeq, %convert_element_type3A_500, %eq3A_663 : vector<512x160xf32>
    %slice3A_665 = vector.extract_strided_slice %convert_element_type3A_482 {offsets = [0, 8], sizes = [512, 1], strides = [1, 1]} : vector<512x16xf32> to vector<512x1xf32>
    %gt3A_666 = arith.constant 0.000000e+00 : f32
    %gt3A_667 = vector.broadcast %gt3A_666 : f32 to vector<512x1xf32>
    %gt3A_668 = arith.cmpf ogt, %slice3A_665, %gt3A_667 : vector<512x1xf32>
    %and3A_669 = vector.broadcast %gt3A_668 : vector<512x1xi1> to vector<512x160xi1>
    %and3A_670 = arith.andi %eq3A_664, %and3A_669 : vector<512x160xi1>
    %jit3A_671 = arith.constant 1.000000e+00 : f32
    %jit3A_672 = arith.constant 0.000000e+00 : f32
    %broadcast_in_dim3A_673 = vector.broadcast %jit3A_671 : f32 to vector<512x160xf32>
    %broadcast_in_dim3A_674 = vector.broadcast %jit3A_672 : f32 to vector<512x160xf32>
    %select_n3A_675 = arith.select %and3A_670, %broadcast_in_dim3A_673, %broadcast_in_dim3A_674 : vector<512x160xi1>, vector<512x160xf32>
    %dot_general3A_676 = arith.constant dense<0.000000e+00> : vector<160x1xf32>
    %dot_general3A_677 = tpu.matmul %select_n3A_675, %convert_element_type3A_509, %dot_general3A_676 {dimension_numbers = #tpu.dot_dimension_numbers<[0], [0], [1], [1], [0, 1, 1, 1], [], []>, precision = #tpu.contract_precision<fp32>, transpose_lhs_hint = false} : vector<512x160xf32>, vector<512x1xf32>, vector<160x1xf32> -> vector<160x1xf32>
    %slice3A_678 = vector.extract_strided_slice %mul3A_483 {offsets = [0, 8], sizes = [512, 1], strides = [1, 1]} : vector<512x16xf32> to vector<512x1xf32>
    %dot_general3A_679 = arith.constant dense<0.000000e+00> : vector<160x1xf32>
    %dot_general3A_680 = tpu.matmul %select_n3A_675, %slice3A_678, %dot_general3A_679 {dimension_numbers = #tpu.dot_dimension_numbers<[0], [0], [1], [1], [0, 1, 1, 1], [], []>, precision = #tpu.contract_precision<fp32>, transpose_lhs_hint = false} : vector<512x160xf32>, vector<512x1xf32>, vector<160x1xf32> -> vector<160x1xf32>
    %slice3A_681 = vector.extract_strided_slice %add3A_470 {offsets = [0, 9], sizes = [512, 1], strides = [1, 1]} : vector<512x16xf32> to vector<512x1xf32>
    %eq3A_682 = vector.broadcast %slice3A_681 : vector<512x1xf32> to vector<512x160xf32>
    %eq3A_683 = arith.cmpf oeq, %convert_element_type3A_500, %eq3A_682 : vector<512x160xf32>
    %slice3A_684 = vector.extract_strided_slice %convert_element_type3A_482 {offsets = [0, 9], sizes = [512, 1], strides = [1, 1]} : vector<512x16xf32> to vector<512x1xf32>
    %gt3A_685 = arith.constant 0.000000e+00 : f32
    %gt3A_686 = vector.broadcast %gt3A_685 : f32 to vector<512x1xf32>
    %gt3A_687 = arith.cmpf ogt, %slice3A_684, %gt3A_686 : vector<512x1xf32>
    %and3A_688 = vector.broadcast %gt3A_687 : vector<512x1xi1> to vector<512x160xi1>
    %and3A_689 = arith.andi %eq3A_683, %and3A_688 : vector<512x160xi1>
    %jit3A_690 = arith.constant 1.000000e+00 : f32
    %jit3A_691 = arith.constant 0.000000e+00 : f32
    %broadcast_in_dim3A_692 = vector.broadcast %jit3A_690 : f32 to vector<512x160xf32>
    %broadcast_in_dim3A_693 = vector.broadcast %jit3A_691 : f32 to vector<512x160xf32>
    %select_n3A_694 = arith.select %and3A_689, %broadcast_in_dim3A_692, %broadcast_in_dim3A_693 : vector<512x160xi1>, vector<512x160xf32>
    %dot_general3A_695 = arith.constant dense<0.000000e+00> : vector<160x1xf32>
    %dot_general3A_696 = tpu.matmul %select_n3A_694, %convert_element_type3A_509, %dot_general3A_695 {dimension_numbers = #tpu.dot_dimension_numbers<[0], [0], [1], [1], [0, 1, 1, 1], [], []>, precision = #tpu.contract_precision<fp32>, transpose_lhs_hint = false} : vector<512x160xf32>, vector<512x1xf32>, vector<160x1xf32> -> vector<160x1xf32>
    %slice3A_697 = vector.extract_strided_slice %mul3A_483 {offsets = [0, 9], sizes = [512, 1], strides = [1, 1]} : vector<512x16xf32> to vector<512x1xf32>
    %dot_general3A_698 = arith.constant dense<0.000000e+00> : vector<160x1xf32>
    %dot_general3A_699 = tpu.matmul %select_n3A_694, %slice3A_697, %dot_general3A_698 {dimension_numbers = #tpu.dot_dimension_numbers<[0], [0], [1], [1], [0, 1, 1, 1], [], []>, precision = #tpu.contract_precision<fp32>, transpose_lhs_hint = false} : vector<512x160xf32>, vector<512x1xf32>, vector<160x1xf32> -> vector<160x1xf32>
    %slice3A_700 = vector.extract_strided_slice %add3A_470 {offsets = [0, 10], sizes = [512, 1], strides = [1, 1]} : vector<512x16xf32> to vector<512x1xf32>
    %eq3A_701 = vector.broadcast %slice3A_700 : vector<512x1xf32> to vector<512x160xf32>
    %eq3A_702 = arith.cmpf oeq, %convert_element_type3A_500, %eq3A_701 : vector<512x160xf32>
    %slice3A_703 = vector.extract_strided_slice %convert_element_type3A_482 {offsets = [0, 10], sizes = [512, 1], strides = [1, 1]} : vector<512x16xf32> to vector<512x1xf32>
    %gt3A_704 = arith.constant 0.000000e+00 : f32
    %gt3A_705 = vector.broadcast %gt3A_704 : f32 to vector<512x1xf32>
    %gt3A_706 = arith.cmpf ogt, %slice3A_703, %gt3A_705 : vector<512x1xf32>
    %and3A_707 = vector.broadcast %gt3A_706 : vector<512x1xi1> to vector<512x160xi1>
    %and3A_708 = arith.andi %eq3A_702, %and3A_707 : vector<512x160xi1>
    %jit3A_709 = arith.constant 1.000000e+00 : f32
    %jit3A_710 = arith.constant 0.000000e+00 : f32
    %broadcast_in_dim3A_711 = vector.broadcast %jit3A_709 : f32 to vector<512x160xf32>
    %broadcast_in_dim3A_712 = vector.broadcast %jit3A_710 : f32 to vector<512x160xf32>
    %select_n3A_713 = arith.select %and3A_708, %broadcast_in_dim3A_711, %broadcast_in_dim3A_712 : vector<512x160xi1>, vector<512x160xf32>
    %dot_general3A_714 = arith.constant dense<0.000000e+00> : vector<160x1xf32>
    %dot_general3A_715 = tpu.matmul %select_n3A_713, %convert_element_type3A_509, %dot_general3A_714 {dimension_numbers = #tpu.dot_dimension_numbers<[0], [0], [1], [1], [0, 1, 1, 1], [], []>, precision = #tpu.contract_precision<fp32>, transpose_lhs_hint = false} : vector<512x160xf32>, vector<512x1xf32>, vector<160x1xf32> -> vector<160x1xf32>
    %slice3A_716 = vector.extract_strided_slice %mul3A_483 {offsets = [0, 10], sizes = [512, 1], strides = [1, 1]} : vector<512x16xf32> to vector<512x1xf32>
    %dot_general3A_717 = arith.constant dense<0.000000e+00> : vector<160x1xf32>
    %dot_general3A_718 = tpu.matmul %select_n3A_713, %slice3A_716, %dot_general3A_717 {dimension_numbers = #tpu.dot_dimension_numbers<[0], [0], [1], [1], [0, 1, 1, 1], [], []>, precision = #tpu.contract_precision<fp32>, transpose_lhs_hint = false} : vector<512x160xf32>, vector<512x1xf32>, vector<160x1xf32> -> vector<160x1xf32>
    %slice3A_719 = vector.extract_strided_slice %add3A_470 {offsets = [0, 11], sizes = [512, 1], strides = [1, 1]} : vector<512x16xf32> to vector<512x1xf32>
    %eq3A_720 = vector.broadcast %slice3A_719 : vector<512x1xf32> to vector<512x160xf32>
    %eq3A_721 = arith.cmpf oeq, %convert_element_type3A_500, %eq3A_720 : vector<512x160xf32>
    %slice3A_722 = vector.extract_strided_slice %convert_element_type3A_482 {offsets = [0, 11], sizes = [512, 1], strides = [1, 1]} : vector<512x16xf32> to vector<512x1xf32>
    %gt3A_723 = arith.constant 0.000000e+00 : f32
    %gt3A_724 = vector.broadcast %gt3A_723 : f32 to vector<512x1xf32>
    %gt3A_725 = arith.cmpf ogt, %slice3A_722, %gt3A_724 : vector<512x1xf32>
    %and3A_726 = vector.broadcast %gt3A_725 : vector<512x1xi1> to vector<512x160xi1>
    %and3A_727 = arith.andi %eq3A_721, %and3A_726 : vector<512x160xi1>
    %jit3A_728 = arith.constant 1.000000e+00 : f32
    %jit3A_729 = arith.constant 0.000000e+00 : f32
    %broadcast_in_dim3A_730 = vector.broadcast %jit3A_728 : f32 to vector<512x160xf32>
    %broadcast_in_dim3A_731 = vector.broadcast %jit3A_729 : f32 to vector<512x160xf32>
    %select_n3A_732 = arith.select %and3A_727, %broadcast_in_dim3A_730, %broadcast_in_dim3A_731 : vector<512x160xi1>, vector<512x160xf32>
    %dot_general3A_733 = arith.constant dense<0.000000e+00> : vector<160x1xf32>
    %dot_general3A_734 = tpu.matmul %select_n3A_732, %convert_element_type3A_509, %dot_general3A_733 {dimension_numbers = #tpu.dot_dimension_numbers<[0], [0], [1], [1], [0, 1, 1, 1], [], []>, precision = #tpu.contract_precision<fp32>, transpose_lhs_hint = false} : vector<512x160xf32>, vector<512x1xf32>, vector<160x1xf32> -> vector<160x1xf32>
    %slice3A_735 = vector.extract_strided_slice %mul3A_483 {offsets = [0, 11], sizes = [512, 1], strides = [1, 1]} : vector<512x16xf32> to vector<512x1xf32>
    %dot_general3A_736 = arith.constant dense<0.000000e+00> : vector<160x1xf32>
    %dot_general3A_737 = tpu.matmul %select_n3A_732, %slice3A_735, %dot_general3A_736 {dimension_numbers = #tpu.dot_dimension_numbers<[0], [0], [1], [1], [0, 1, 1, 1], [], []>, precision = #tpu.contract_precision<fp32>, transpose_lhs_hint = false} : vector<512x160xf32>, vector<512x1xf32>, vector<160x1xf32> -> vector<160x1xf32>
    %slice3A_738 = vector.extract_strided_slice %add3A_470 {offsets = [0, 12], sizes = [512, 1], strides = [1, 1]} : vector<512x16xf32> to vector<512x1xf32>
    %eq3A_739 = vector.broadcast %slice3A_738 : vector<512x1xf32> to vector<512x160xf32>
    %eq3A_740 = arith.cmpf oeq, %convert_element_type3A_500, %eq3A_739 : vector<512x160xf32>
    %slice3A_741 = vector.extract_strided_slice %convert_element_type3A_482 {offsets = [0, 12], sizes = [512, 1], strides = [1, 1]} : vector<512x16xf32> to vector<512x1xf32>
    %gt3A_742 = arith.constant 0.000000e+00 : f32
    %gt3A_743 = vector.broadcast %gt3A_742 : f32 to vector<512x1xf32>
    %gt3A_744 = arith.cmpf ogt, %slice3A_741, %gt3A_743 : vector<512x1xf32>
    %and3A_745 = vector.broadcast %gt3A_744 : vector<512x1xi1> to vector<512x160xi1>
    %and3A_746 = arith.andi %eq3A_740, %and3A_745 : vector<512x160xi1>
    %jit3A_747 = arith.constant 1.000000e+00 : f32
    %jit3A_748 = arith.constant 0.000000e+00 : f32
    %broadcast_in_dim3A_749 = vector.broadcast %jit3A_747 : f32 to vector<512x160xf32>
    %broadcast_in_dim3A_750 = vector.broadcast %jit3A_748 : f32 to vector<512x160xf32>
    %select_n3A_751 = arith.select %and3A_746, %broadcast_in_dim3A_749, %broadcast_in_dim3A_750 : vector<512x160xi1>, vector<512x160xf32>
    %dot_general3A_752 = arith.constant dense<0.000000e+00> : vector<160x1xf32>
    %dot_general3A_753 = tpu.matmul %select_n3A_751, %convert_element_type3A_509, %dot_general3A_752 {dimension_numbers = #tpu.dot_dimension_numbers<[0], [0], [1], [1], [0, 1, 1, 1], [], []>, precision = #tpu.contract_precision<fp32>, transpose_lhs_hint = false} : vector<512x160xf32>, vector<512x1xf32>, vector<160x1xf32> -> vector<160x1xf32>
    %slice3A_754 = vector.extract_strided_slice %mul3A_483 {offsets = [0, 12], sizes = [512, 1], strides = [1, 1]} : vector<512x16xf32> to vector<512x1xf32>
    %dot_general3A_755 = arith.constant dense<0.000000e+00> : vector<160x1xf32>
    %dot_general3A_756 = tpu.matmul %select_n3A_751, %slice3A_754, %dot_general3A_755 {dimension_numbers = #tpu.dot_dimension_numbers<[0], [0], [1], [1], [0, 1, 1, 1], [], []>, precision = #tpu.contract_precision<fp32>, transpose_lhs_hint = false} : vector<512x160xf32>, vector<512x1xf32>, vector<160x1xf32> -> vector<160x1xf32>
    %slice3A_757 = vector.extract_strided_slice %add3A_470 {offsets = [0, 13], sizes = [512, 1], strides = [1, 1]} : vector<512x16xf32> to vector<512x1xf32>
    %eq3A_758 = vector.broadcast %slice3A_757 : vector<512x1xf32> to vector<512x160xf32>
    %eq3A_759 = arith.cmpf oeq, %convert_element_type3A_500, %eq3A_758 : vector<512x160xf32>
    %slice3A_760 = vector.extract_strided_slice %convert_element_type3A_482 {offsets = [0, 13], sizes = [512, 1], strides = [1, 1]} : vector<512x16xf32> to vector<512x1xf32>
    %gt3A_761 = arith.constant 0.000000e+00 : f32
    %gt3A_762 = vector.broadcast %gt3A_761 : f32 to vector<512x1xf32>
    %gt3A_763 = arith.cmpf ogt, %slice3A_760, %gt3A_762 : vector<512x1xf32>
    %and3A_764 = vector.broadcast %gt3A_763 : vector<512x1xi1> to vector<512x160xi1>
    %and3A_765 = arith.andi %eq3A_759, %and3A_764 : vector<512x160xi1>
    %jit3A_766 = arith.constant 1.000000e+00 : f32
    %jit3A_767 = arith.constant 0.000000e+00 : f32
    %broadcast_in_dim3A_768 = vector.broadcast %jit3A_766 : f32 to vector<512x160xf32>
    %broadcast_in_dim3A_769 = vector.broadcast %jit3A_767 : f32 to vector<512x160xf32>
    %select_n3A_770 = arith.select %and3A_765, %broadcast_in_dim3A_768, %broadcast_in_dim3A_769 : vector<512x160xi1>, vector<512x160xf32>
    %dot_general3A_771 = arith.constant dense<0.000000e+00> : vector<160x1xf32>
    %dot_general3A_772 = tpu.matmul %select_n3A_770, %convert_element_type3A_509, %dot_general3A_771 {dimension_numbers = #tpu.dot_dimension_numbers<[0], [0], [1], [1], [0, 1, 1, 1], [], []>, precision = #tpu.contract_precision<fp32>, transpose_lhs_hint = false} : vector<512x160xf32>, vector<512x1xf32>, vector<160x1xf32> -> vector<160x1xf32>
    %slice3A_773 = vector.extract_strided_slice %mul3A_483 {offsets = [0, 13], sizes = [512, 1], strides = [1, 1]} : vector<512x16xf32> to vector<512x1xf32>
    %dot_general3A_774 = arith.constant dense<0.000000e+00> : vector<160x1xf32>
    %dot_general3A_775 = tpu.matmul %select_n3A_770, %slice3A_773, %dot_general3A_774 {dimension_numbers = #tpu.dot_dimension_numbers<[0], [0], [1], [1], [0, 1, 1, 1], [], []>, precision = #tpu.contract_precision<fp32>, transpose_lhs_hint = false} : vector<512x160xf32>, vector<512x1xf32>, vector<160x1xf32> -> vector<160x1xf32>
    %slice3A_776 = vector.extract_strided_slice %add3A_470 {offsets = [0, 14], sizes = [512, 1], strides = [1, 1]} : vector<512x16xf32> to vector<512x1xf32>
    %eq3A_777 = vector.broadcast %slice3A_776 : vector<512x1xf32> to vector<512x160xf32>
    %eq3A_778 = arith.cmpf oeq, %convert_element_type3A_500, %eq3A_777 : vector<512x160xf32>
    %slice3A_779 = vector.extract_strided_slice %convert_element_type3A_482 {offsets = [0, 14], sizes = [512, 1], strides = [1, 1]} : vector<512x16xf32> to vector<512x1xf32>
    %gt3A_780 = arith.constant 0.000000e+00 : f32
    %gt3A_781 = vector.broadcast %gt3A_780 : f32 to vector<512x1xf32>
    %gt3A_782 = arith.cmpf ogt, %slice3A_779, %gt3A_781 : vector<512x1xf32>
    %and3A_783 = vector.broadcast %gt3A_782 : vector<512x1xi1> to vector<512x160xi1>
    %and3A_784 = arith.andi %eq3A_778, %and3A_783 : vector<512x160xi1>
    %jit3A_785 = arith.constant 1.000000e+00 : f32
    %jit3A_786 = arith.constant 0.000000e+00 : f32
    %broadcast_in_dim3A_787 = vector.broadcast %jit3A_785 : f32 to vector<512x160xf32>
    %broadcast_in_dim3A_788 = vector.broadcast %jit3A_786 : f32 to vector<512x160xf32>
    %select_n3A_789 = arith.select %and3A_784, %broadcast_in_dim3A_787, %broadcast_in_dim3A_788 : vector<512x160xi1>, vector<512x160xf32>
    %dot_general3A_790 = arith.constant dense<0.000000e+00> : vector<160x1xf32>
    %dot_general3A_791 = tpu.matmul %select_n3A_789, %convert_element_type3A_509, %dot_general3A_790 {dimension_numbers = #tpu.dot_dimension_numbers<[0], [0], [1], [1], [0, 1, 1, 1], [], []>, precision = #tpu.contract_precision<fp32>, transpose_lhs_hint = false} : vector<512x160xf32>, vector<512x1xf32>, vector<160x1xf32> -> vector<160x1xf32>
    %slice3A_792 = vector.extract_strided_slice %mul3A_483 {offsets = [0, 14], sizes = [512, 1], strides = [1, 1]} : vector<512x16xf32> to vector<512x1xf32>
    %dot_general3A_793 = arith.constant dense<0.000000e+00> : vector<160x1xf32>
    %dot_general3A_794 = tpu.matmul %select_n3A_789, %slice3A_792, %dot_general3A_793 {dimension_numbers = #tpu.dot_dimension_numbers<[0], [0], [1], [1], [0, 1, 1, 1], [], []>, precision = #tpu.contract_precision<fp32>, transpose_lhs_hint = false} : vector<512x160xf32>, vector<512x1xf32>, vector<160x1xf32> -> vector<160x1xf32>
    %slice3A_795 = vector.extract_strided_slice %add3A_470 {offsets = [0, 15], sizes = [512, 1], strides = [1, 1]} : vector<512x16xf32> to vector<512x1xf32>
    %eq3A_796 = vector.broadcast %slice3A_795 : vector<512x1xf32> to vector<512x160xf32>
    %eq3A_797 = arith.cmpf oeq, %convert_element_type3A_500, %eq3A_796 : vector<512x160xf32>
    %slice3A_798 = vector.extract_strided_slice %convert_element_type3A_482 {offsets = [0, 15], sizes = [512, 1], strides = [1, 1]} : vector<512x16xf32> to vector<512x1xf32>
    %gt3A_799 = arith.constant 0.000000e+00 : f32
    %gt3A_800 = vector.broadcast %gt3A_799 : f32 to vector<512x1xf32>
    %gt3A_801 = arith.cmpf ogt, %slice3A_798, %gt3A_800 : vector<512x1xf32>
    %and3A_802 = vector.broadcast %gt3A_801 : vector<512x1xi1> to vector<512x160xi1>
    %and3A_803 = arith.andi %eq3A_797, %and3A_802 : vector<512x160xi1>
    %jit3A_804 = arith.constant 1.000000e+00 : f32
    %jit3A_805 = arith.constant 0.000000e+00 : f32
    %broadcast_in_dim3A_806 = vector.broadcast %jit3A_804 : f32 to vector<512x160xf32>
    %broadcast_in_dim3A_807 = vector.broadcast %jit3A_805 : f32 to vector<512x160xf32>
    %select_n3A_808 = arith.select %and3A_803, %broadcast_in_dim3A_806, %broadcast_in_dim3A_807 : vector<512x160xi1>, vector<512x160xf32>
    %dot_general3A_809 = arith.constant dense<0.000000e+00> : vector<160x1xf32>
    %dot_general3A_810 = tpu.matmul %select_n3A_808, %convert_element_type3A_509, %dot_general3A_809 {dimension_numbers = #tpu.dot_dimension_numbers<[0], [0], [1], [1], [0, 1, 1, 1], [], []>, precision = #tpu.contract_precision<fp32>, transpose_lhs_hint = false} : vector<512x160xf32>, vector<512x1xf32>, vector<160x1xf32> -> vector<160x1xf32>
    %slice3A_811 = vector.extract_strided_slice %mul3A_483 {offsets = [0, 15], sizes = [512, 1], strides = [1, 1]} : vector<512x16xf32> to vector<512x1xf32>
    %dot_general3A_812 = arith.constant dense<0.000000e+00> : vector<160x1xf32>
    %dot_general3A_813 = tpu.matmul %select_n3A_808, %slice3A_811, %dot_general3A_812 {dimension_numbers = #tpu.dot_dimension_numbers<[0], [0], [1], [1], [0, 1, 1, 1], [], []>, precision = #tpu.contract_precision<fp32>, transpose_lhs_hint = false} : vector<512x160xf32>, vector<512x1xf32>, vector<160x1xf32> -> vector<160x1xf32>
    %get3A_814 = arith.constant 0 : index
    %get3A_815 = arith.constant 0 : index
    %get3A_816 = arith.constant 0 : index
    %get3A_817 = vector.load %arg6[%get3A_814, %get3A_815, %get3A_816] : memref<1x160x16xf32, #tpu.memory_space<vmem>>, vector<1x160x16xf32>
    %get3A_818 = vector.shape_cast %get3A_817 : vector<1x160x16xf32> to vector<160x16xf32>
    %concatenate3A = tpu.concatenate %dot_general3A_525, %dot_general3A_544, %dot_general3A_563, %dot_general3A_582, %dot_general3A_601, %dot_general3A_620, %dot_general3A_639, %dot_general3A_658, %dot_general3A_677, %dot_general3A_696, %dot_general3A_715, %dot_general3A_734, %dot_general3A_753, %dot_general3A_772, %dot_general3A_791, %dot_general3A_810 in 1 : vector<160x1xf32>, vector<160x1xf32>, vector<160x1xf32>, vector<160x1xf32>, vector<160x1xf32>, vector<160x1xf32>, vector<160x1xf32>, vector<160x1xf32>, vector<160x1xf32>, vector<160x1xf32>, vector<160x1xf32>, vector<160x1xf32>, vector<160x1xf32>, vector<160x1xf32>, vector<160x1xf32>, vector<160x1xf32> -> vector<160x16xf32>
    %add3A_819 = arith.addf %get3A_818, %concatenate3A : vector<160x16xf32>
    %swap3A_820 = arith.constant 0 : index
    %swap3A_821 = arith.constant 0 : index
    %swap3A_822 = arith.constant 0 : index
    %swap3A_823 = vector.load %arg6[%swap3A_820, %swap3A_821, %swap3A_822] : memref<1x160x16xf32, #tpu.memory_space<vmem>>, vector<1x160x16xf32>
    %swap3A_824 = vector.shape_cast %swap3A_823 : vector<1x160x16xf32> to vector<160x16xf32>
    %swap3A_825 = vector.shape_cast %add3A_819 : vector<160x16xf32> to vector<1x160x16xf32>
    tpu.vector_store %arg6[%swap3A_820, %swap3A_821, %swap3A_822], %swap3A_825 {strides = array<i32>} : memref<1x160x16xf32, #tpu.memory_space<vmem>>, vector<1x160x16xf32>,
    %get3A_826 = arith.constant 0 : index
    %get3A_827 = arith.constant 0 : index
    %get3A_828 = arith.constant 0 : index
    %get3A_829 = vector.load %arg7[%get3A_826, %get3A_827, %get3A_828] : memref<1x160x16xf32, #tpu.memory_space<vmem>>, vector<1x160x16xf32>
    %get3A_830 = vector.shape_cast %get3A_829 : vector<1x160x16xf32> to vector<160x16xf32>
    %concatenate3A_831 = tpu.concatenate %dot_general3A_528, %dot_general3A_547, %dot_general3A_566, %dot_general3A_585, %dot_general3A_604, %dot_general3A_623, %dot_general3A_642, %dot_general3A_661, %dot_general3A_680, %dot_general3A_699, %dot_general3A_718, %dot_general3A_737, %dot_general3A_756, %dot_general3A_775, %dot_general3A_794, %dot_general3A_813 in 1 : vector<160x1xf32>, vector<160x1xf32>, vector<160x1xf32>, vector<160x1xf32>, vector<160x1xf32>, vector<160x1xf32>, vector<160x1xf32>, vector<160x1xf32>, vector<160x1xf32>, vector<160x1xf32>, vector<160x1xf32>, vector<160x1xf32>, vector<160x1xf32>, vector<160x1xf32>, vector<160x1xf32>, vector<160x1xf32> -> vector<160x16xf32>
    %add3A_832 = arith.addf %get3A_830, %concatenate3A_831 : vector<160x16xf32>
    %swap3A_833 = arith.constant 0 : index
    %swap3A_834 = arith.constant 0 : index
    %swap3A_835 = arith.constant 0 : index
    %swap3A_836 = vector.load %arg7[%swap3A_833, %swap3A_834, %swap3A_835] : memref<1x160x16xf32, #tpu.memory_space<vmem>>, vector<1x160x16xf32>
    %swap3A_837 = vector.shape_cast %swap3A_836 : vector<1x160x16xf32> to vector<160x16xf32>
    %swap3A_838 = vector.shape_cast %add3A_832 : vector<160x16xf32> to vector<1x160x16xf32>
    tpu.vector_store %arg7[%swap3A_833, %swap3A_834, %swap3A_835], %swap3A_838 {strides = array<i32>} : memref<1x160x16xf32, #tpu.memory_space<vmem>>, vector<1x160x16xf32>,
    %get3A_839 = arith.constant 1 : index
    %get3A_840 = arith.constant 0 : index
    %get3A_841 = vector.load %arg9[%get3A_839, %get3A_840] : memref<8x128xf32, #tpu.memory_space<vmem>>, vector<1x16xf32>
    %reduce_sum3A_842 = arith.constant dense<0.000000e+00> : vector<16xf32>
    %reduce_sum3A_843 = vector.multi_reduction <add>, %convert_element_type3A_450, %reduce_sum3A_842 [0] : vector<512x16xf32> to vector<16xf32>
    %broadcast_in_dim3A_844 = vector.shape_cast %reduce_sum3A_843 : vector<16xf32> to vector<1x16xf32>
    %add3A_845 = arith.addf %get3A_841, %broadcast_in_dim3A_844 : vector<1x16xf32>
    %swap3A_846 = arith.constant 1 : index
    %swap3A_847 = arith.constant 0 : index
    %swap3A_848 = vector.load %arg9[%swap3A_846, %swap3A_847] : memref<8x128xf32, #tpu.memory_space<vmem>>, vector<1x16xf32>
    tpu.vector_store %arg9[%swap3A_846, %swap3A_847], %add3A_845 {strides = array<i32>} : memref<8x128xf32, #tpu.memory_space<vmem>>, vector<1x16xf32>,
    %get3A_849 = arith.constant 2 : index
    %get3A_850 = arith.constant 0 : index
    %get3A_851 = vector.load %arg9[%get3A_849, %get3A_850] : memref<8x128xf32, #tpu.memory_space<vmem>>, vector<1x16xf32>
    %reduce_sum3A_852 = arith.constant dense<0.000000e+00> : vector<16xf32>
    %reduce_sum3A_853 = vector.multi_reduction <add>, %div3A_14, %reduce_sum3A_852 [0] : vector<512x16xf32> to vector<16xf32>
    %broadcast_in_dim3A_854 = vector.shape_cast %reduce_sum3A_853 : vector<16xf32> to vector<1x16xf32>
    %add3A_855 = arith.addf %get3A_851, %broadcast_in_dim3A_854 : vector<1x16xf32>
    %swap3A_856 = arith.constant 2 : index
    %swap3A_857 = arith.constant 0 : index
    %swap3A_858 = vector.load %arg9[%swap3A_856, %swap3A_857] : memref<8x128xf32, #tpu.memory_space<vmem>>, vector<1x16xf32>
    tpu.vector_store %arg9[%swap3A_856, %swap3A_857], %add3A_855 {strides = array<i32>} : memref<8x128xf32, #tpu.memory_space<vmem>>, vector<1x16xf32>,
    %eq3A_859 = arith.constant 3 : i32
    %eq3A_860 = arith.cmpi eq, %arg1, %eq3A_859 : i32
    %convert_element_type3A_861 = arith.extui %eq3A_860 : i1 to i32
    %cond3A_862 = arith.constant 0 : i32
    %cond3A_863 = arith.cmpi ne, %convert_element_type3A_861, %cond3A_862 : i32
    scf.if %cond3A_863 {
      %get3A_864 = arith.constant 1 : index
      %get3A_865 = arith.constant 0 : index
      %get3A_866 = vector.load %arg9[%get3A_864, %get3A_865] : memref<8x128xf32, #tpu.memory_space<vmem>>, vector<1x16xf32>
      %get3A_867 = arith.constant 2 : index
      %get3A_868 = arith.constant 0 : index
      %get3A_869 = vector.load %arg9[%get3A_867, %get3A_868] : memref<8x128xf32, #tpu.memory_space<vmem>>, vector<1x16xf32>
      %mul3A_870 = arith.mulf %get3A_866, %get3A_869 : vector<1x16xf32>
      %reduce_sum3A_871 = vector.shape_cast %mul3A_870 : vector<1x16xf32> to vector<1x1x16xf32>
      %reduce_sum3A_872 = arith.constant dense<0.000000e+00> : vector<1xf32>
      %reduce_sum3A_873 = vector.multi_reduction <add>, %reduce_sum3A_871, %reduce_sum3A_872 [1, 2] : vector<1x1x16xf32> to vector<1xf32>
      %reduce_sum3A_874 = vector.shape_cast %reduce_sum3A_873 : vector<1xf32> to vector<1x1x1xf32>
      %reduce_sum3A_875 = vector.extract %reduce_sum3A_874[0, 0, 0] : f32 from vector<1x1x1xf32>
      %reshape3A = vector.broadcast %reduce_sum3A_875 : f32 to vector<1x1xf32>
      %get3A_876 = arith.constant 3 : index
      %get3A_877 = arith.constant 0 : index
      %get3A_878 = vector.load %arg9[%get3A_876, %get3A_877] : memref<8x128xf32, #tpu.memory_space<vmem>>, vector<1x1xf32>
      %add3A_879 = arith.addf %get3A_878, %reshape3A : vector<1x1xf32>
      %swap3A_880 = arith.constant 3 : index
      %swap3A_881 = arith.constant 0 : index
      %swap3A_882 = vector.load %arg9[%swap3A_880, %swap3A_881] : memref<8x128xf32, #tpu.memory_space<vmem>>, vector<1x1xf32>
      tpu.vector_store %arg9[%swap3A_880, %swap3A_881], %add3A_879 {strides = array<i32>} : memref<8x128xf32, #tpu.memory_space<vmem>>, vector<1x1xf32>,
      %eq3A_883 = arith.constant 1 : i32
      %eq3A_884 = arith.cmpi eq, %arg0, %eq3A_883 : i32
      %convert_element_type3A_885 = arith.extui %eq3A_884 : i1 to i32
      %cond3A_886 = arith.constant 0 : i32
      %cond3A_887 = arith.cmpi ne, %convert_element_type3A_885, %cond3A_886 : i32
      scf.if %cond3A_887 {
        %get3A_888 = arith.constant 3 : index
        %get3A_889 = arith.constant 0 : index
        %get3A_890 = vector.load %arg9[%get3A_888, %get3A_889] : memref<8x128xf32, #tpu.memory_space<vmem>>, vector<1x1xf32>
        %mul3A_891 = arith.constant 1.90734859E-8 : f32
        %mul3A_892 = vector.broadcast %mul3A_891 : f32 to vector<1x1xf32>
        %mul3A_893 = arith.mulf %get3A_890, %mul3A_892 : vector<1x1xf32>
        %swap3A_894 = arith.constant 0 : index
        %swap3A_895 = arith.constant 0 : index
        %swap3A_896 = vector.load %arg8[%swap3A_894, %swap3A_895] : memref<1x1xf32, #tpu.memory_space<vmem>>, vector<1x1xf32>
        tpu.vector_store %arg8[%swap3A_894, %swap3A_895], %mul3A_893 {strides = array<i32>} : memref<1x1xf32, #tpu.memory_space<vmem>>, vector<1x1xf32>,
      } else {
      }
    } else {
    }
    return
  }
  func.func @transform_0(%arg0: i32, %arg1: i32) -> (i32, i32, i32) {
    %c0_i32 = arith.constant 0 : i32
    %c0_i32_0 = arith.constant 0 : i32
    return %arg0, %arg1, %c0_i32 : i32, i32, i32
  }
  func.func @transform_1(%arg0: i32, %arg1: i32) -> (i32, i32) {
    %c0_i32 = arith.constant 0 : i32
    %c0_i32_0 = arith.constant 0 : i32
    %c0_i32_1 = arith.constant 0 : i32
    return %c0_i32, %c0_i32_0 : i32, i32
  }
  func.func @transform_2(%arg0: i32, %arg1: i32) -> (i32, i32, i32) {
    %c0_i32 = arith.constant 0 : i32
    %c0_i32_0 = arith.constant 0 : i32
    return %arg0, %arg1, %c0_i32 : i32, i32, i32
  }
  func.func @transform_3(%arg0: i32, %arg1: i32) -> (i32, i32, i32) {
    %c0_i32 = arith.constant 0 : i32
    %c0_i32_0 = arith.constant 0 : i32
    return %arg0, %arg1, %c0_i32 : i32, i32, i32
  }
  func.func @transform_4(%arg0: i32, %arg1: i32) -> (i32, i32, i32) {
    %c0_i32 = arith.constant 0 : i32
    %c0_i32_0 = arith.constant 0 : i32
    %c0_i32_1 = arith.constant 0 : i32
    return %arg0, %c0_i32, %c0_i32_0 : i32, i32, i32
  }
  func.func @transform_5(%arg0: i32, %arg1: i32) -> (i32, i32, i32) {
    %c0_i32 = arith.constant 0 : i32
    %c0_i32_0 = arith.constant 0 : i32
    %c0_i32_1 = arith.constant 0 : i32
    return %arg0, %c0_i32, %c0_i32_0 : i32, i32, i32
  }
  func.func @transform_6(%arg0: i32, %arg1: i32) -> (i32, i32) {
    %c0_i32 = arith.constant 0 : i32
    %c0_i32_0 = arith.constant 0 : i32
    %c0_i32_1 = arith.constant 0 : i32
    return %c0_i32, %c0_i32_0 : i32, i32
  }
}

module attributes {stable_mosaic.version = 14 : i64} {
  func.func @_ffn_body(%arg0: i32, %arg1: i32, %arg2: memref<1x1x160x768xf32, #tpu.memory_space<vmem>>, %arg3: memref<1x768x1024xf32, #tpu.memory_space<vmem>>, %arg4: memref<1x1024x768xf32, #tpu.memory_space<vmem>>, %arg5: memref<1x1x160x1xf32, #tpu.memory_space<vmem>>, %arg6: memref<1x1x160x768xbf16, #tpu.memory_space<vmem>>) attributes {dimension_semantics = [#tpu.dimension_semantics<arbitrary>, #tpu.dimension_semantics<arbitrary>], iteration_bounds = array<i64: 16, 2>, scalar_prefetch = 0 : i64, scratch_operands = 0 : i64, tpu.core_type = #tpu.core_type<tc>, window_params = [{transform_indices = @transform_0, window_bounds = array<i64: 1, 1, 160, 768>}, {transform_indices = @transform_1, window_bounds = array<i64: 1, 768, 1024>}, {transform_indices = @transform_2, window_bounds = array<i64: 1, 1024, 768>}, {transform_indices = @transform_3, window_bounds = array<i64: 1, 1, 160, 1>}, {transform_indices = @transform_4, window_bounds = array<i64: 1, 1, 160, 768>}]} {
    %get3A = arith.constant 0 : index
    %get3A_0 = arith.constant 0 : index
    %get3A_1 = arith.constant 0 : index
    %get3A_2 = arith.constant 0 : index
    %get3A_3 = vector.load %arg2[%get3A, %get3A_0, %get3A_1, %get3A_2] : memref<1x1x160x768xf32, #tpu.memory_space<vmem>>, vector<1x1x160x768xf32>
    %get3A_4 = vector.shape_cast %get3A_3 : vector<1x1x160x768xf32> to vector<160x768xf32>
    %convert_element_type3A = arith.truncf %get3A_4 : vector<160x768xf32> to vector<160x768xbf16>
    %get3A_5 = arith.constant 0 : index
    %get3A_6 = arith.constant 0 : index
    %get3A_7 = arith.constant 0 : index
    %get3A_8 = vector.load %arg3[%get3A_5, %get3A_6, %get3A_7] : memref<1x768x1024xf32, #tpu.memory_space<vmem>>, vector<1x768x1024xf32>
    %get3A_9 = vector.shape_cast %get3A_8 : vector<1x768x1024xf32> to vector<768x1024xf32>
    %convert_element_type3A_10 = arith.truncf %get3A_9 : vector<768x1024xf32> to vector<768x1024xbf16>
    %get3A_11 = arith.constant 0 : index
    %get3A_12 = arith.constant 0 : index
    %get3A_13 = arith.constant 0 : index
    %get3A_14 = vector.load %arg4[%get3A_11, %get3A_12, %get3A_13] : memref<1x1024x768xf32, #tpu.memory_space<vmem>>, vector<1x1024x768xf32>
    %get3A_15 = vector.shape_cast %get3A_14 : vector<1x1024x768xf32> to vector<1024x768xf32>
    %convert_element_type3A_16 = arith.truncf %get3A_15 : vector<1024x768xf32> to vector<1024x768xbf16>
    %dot_general3A = arith.constant dense<0.000000e+00> : vector<160x1024xf32>
    %dot_general3A_17 = tpu.matmul %convert_element_type3A, %convert_element_type3A_10, %dot_general3A {dimension_numbers = #tpu.dot_dimension_numbers<[1], [0], [0], [1], [0, 0, 1, 1], [], []>, transpose_lhs_hint = false} : vector<160x768xbf16>, vector<768x1024xbf16>, vector<160x1024xf32> -> vector<160x1024xf32>
    %max3A = arith.constant 0.000000e+00 : f32
    %max3A_18 = vector.broadcast %max3A : f32 to vector<160x1024xf32>
    %max3A_19 = arith.maximumf %dot_general3A_17, %max3A_18 : vector<160x1024xf32>
    %convert_element_type3A_20 = arith.truncf %max3A_19 : vector<160x1024xf32> to vector<160x1024xbf16>
    %dot_general3A_21 = arith.constant dense<0.000000e+00> : vector<160x768xf32>
    %dot_general3A_22 = tpu.matmul %convert_element_type3A_20, %convert_element_type3A_16, %dot_general3A_21 {dimension_numbers = #tpu.dot_dimension_numbers<[1], [0], [0], [1], [0, 0, 1, 1], [], []>, transpose_lhs_hint = false} : vector<160x1024xbf16>, vector<1024x768xbf16>, vector<160x768xf32> -> vector<160x768xf32>
    %get3A_23 = arith.constant 0 : index
    %get3A_24 = arith.constant 0 : index
    %get3A_25 = arith.constant 0 : index
    %get3A_26 = arith.constant 0 : index
    %get3A_27 = vector.load %arg5[%get3A_23, %get3A_24, %get3A_25, %get3A_26] : memref<1x1x160x1xf32, #tpu.memory_space<vmem>>, vector<1x1x160x1xf32>
    %get3A_28 = vector.shape_cast %get3A_27 : vector<1x1x160x1xf32> to vector<160x1xf32>
    %gt3A = arith.constant 0.000000e+00 : f32
    %gt3A_29 = vector.broadcast %gt3A : f32 to vector<160x1xf32>
    %gt3A_30 = arith.cmpf ogt, %get3A_28, %gt3A_29 : vector<160x1xf32>
    %mul3A = vector.broadcast %get3A_28 : vector<160x1xf32> to vector<160x768xf32>
    %mul3A_31 = arith.mulf %mul3A, %dot_general3A_22 : vector<160x768xf32>
    %jit3A = arith.constant 0.000000e+00 : f32
    %broadcast_in_dim3A = vector.shape_cast %gt3A_30 : vector<160x1xi1> to vector<160x1xi1>
    %broadcast_in_dim3A_32 = vector.broadcast %broadcast_in_dim3A : vector<160x1xi1> to vector<160x768xi1>
    %broadcast_in_dim3A_33 = vector.broadcast %jit3A : f32 to vector<160x768xf32>
    %select_n3A = arith.select %broadcast_in_dim3A_32, %mul3A_31, %broadcast_in_dim3A_33 : vector<160x768xi1>, vector<160x768xf32>
    %convert_element_type3A_34 = arith.truncf %select_n3A : vector<160x768xf32> to vector<160x768xbf16>
    %swap3A = arith.constant 0 : index
    %swap3A_35 = arith.constant 0 : index
    %swap3A_36 = arith.constant 0 : index
    %swap3A_37 = arith.constant 0 : index
    %swap3A_38 = vector.load %arg6[%swap3A, %swap3A_35, %swap3A_36, %swap3A_37] : memref<1x1x160x768xbf16, #tpu.memory_space<vmem>>, vector<1x1x160x768xbf16>
    %swap3A_39 = vector.shape_cast %swap3A_38 : vector<1x1x160x768xbf16> to vector<160x768xbf16>
    %swap3A_40 = vector.shape_cast %convert_element_type3A_34 : vector<160x768xbf16> to vector<1x1x160x768xbf16>
    tpu.vector_store %arg6[%swap3A, %swap3A_35, %swap3A_36, %swap3A_37], %swap3A_40 {strides = array<i32>} : memref<1x1x160x768xbf16, #tpu.memory_space<vmem>>, vector<1x1x160x768xbf16>,
    return
  }
  func.func @transform_0(%arg0: i32, %arg1: i32) -> (i32, i32, i32, i32) {
    %c0_i32 = arith.constant 0 : i32
    %c0_i32_0 = arith.constant 0 : i32
    %c0_i32_1 = arith.constant 0 : i32
    return %arg0, %arg1, %c0_i32, %c0_i32_0 : i32, i32, i32, i32
  }
  func.func @transform_1(%arg0: i32, %arg1: i32) -> (i32, i32, i32) {
    %c0_i32 = arith.constant 0 : i32
    %c0_i32_0 = arith.constant 0 : i32
    %c0_i32_1 = arith.constant 0 : i32
    return %arg0, %c0_i32, %c0_i32_0 : i32, i32, i32
  }
  func.func @transform_2(%arg0: i32, %arg1: i32) -> (i32, i32, i32) {
    %c0_i32 = arith.constant 0 : i32
    %c0_i32_0 = arith.constant 0 : i32
    %c0_i32_1 = arith.constant 0 : i32
    return %arg0, %c0_i32, %c0_i32_0 : i32, i32, i32
  }
  func.func @transform_3(%arg0: i32, %arg1: i32) -> (i32, i32, i32, i32) {
    %c0_i32 = arith.constant 0 : i32
    %c0_i32_0 = arith.constant 0 : i32
    %c0_i32_1 = arith.constant 0 : i32
    return %arg0, %arg1, %c0_i32, %c0_i32_0 : i32, i32, i32, i32
  }
  func.func @transform_4(%arg0: i32, %arg1: i32) -> (i32, i32, i32, i32) {
    %c0_i32 = arith.constant 0 : i32
    %c0_i32_0 = arith.constant 0 : i32
    %c0_i32_1 = arith.constant 0 : i32
    return %arg0, %arg1, %c0_i32, %c0_i32_0 : i32, i32, i32, i32
  }
}

module attributes {stable_mosaic.version = 14 : i64} {
  func.func @_combine_body(%arg0: i32, %arg1: i32, %arg2: memref<1x256x16xi32, #tpu.memory_space<vmem>>, %arg3: memref<1x256x16xf32, #tpu.memory_space<vmem>>, %arg4: memref<16x1x160x768xbf16, #tpu.memory_space<vmem>>, %arg5: memref<1x256x768xf32, #tpu.memory_space<vmem>>) attributes {dimension_semantics = [#tpu.dimension_semantics<arbitrary>, #tpu.dimension_semantics<arbitrary>], iteration_bounds = array<i64: 2, 8>, scalar_prefetch = 0 : i64, scratch_operands = 0 : i64, tpu.core_type = #tpu.core_type<tc>, window_params = [{transform_indices = @transform_0, window_bounds = array<i64: 1, 256, 16>}, {transform_indices = @transform_1, window_bounds = array<i64: 1, 256, 16>}, {transform_indices = @transform_2, window_bounds = array<i64: 16, 1, 160, 768>}, {transform_indices = @transform_3, window_bounds = array<i64: 1, 256, 768>}]} {
    %iota3A = tpu.iota {dimensions = array<i32: 1>} : vector<256x160xi32>
    %broadcast_in_dim3A = arith.constant 0.000000e+00 : f32
    %broadcast_in_dim3A_0 = vector.broadcast %broadcast_in_dim3A : f32 to vector<256x768xf32>
    %get3A = arith.constant 0 : index
    %get3A_1 = arith.constant 0 : index
    %get3A_2 = arith.constant 0 : index
    %get3A_3 = vector.load %arg2[%get3A, %get3A_1, %get3A_2] : memref<1x256x16xi32, #tpu.memory_space<vmem>>, vector<1x256x1xi32>
    %get3A_4 = vector.shape_cast %get3A_3 : vector<1x256x1xi32> to vector<256x1xi32>
    %get3A_5 = arith.constant 0 : index
    %get3A_6 = arith.constant 0 : index
    %get3A_7 = arith.constant 0 : index
    %get3A_8 = vector.load %arg3[%get3A_5, %get3A_6, %get3A_7] : memref<1x256x16xf32, #tpu.memory_space<vmem>>, vector<1x256x1xf32>
    %get3A_9 = vector.shape_cast %get3A_8 : vector<1x256x1xf32> to vector<256x1xf32>
    %eq3A = vector.broadcast %get3A_4 : vector<256x1xi32> to vector<256x160xi32>
    %eq3A_10 = arith.cmpi eq, %iota3A, %eq3A : vector<256x160xi32>
    %gt3A = arith.constant 0.000000e+00 : f32
    %gt3A_11 = vector.broadcast %gt3A : f32 to vector<256x1xf32>
    %gt3A_12 = arith.cmpf ogt, %get3A_9, %gt3A_11 : vector<256x1xf32>
    %and3A = vector.broadcast %gt3A_12 : vector<256x1xi1> to vector<256x160xi1>
    %and3A_13 = arith.andi %eq3A_10, %and3A : vector<256x160xi1>
    %convert_element_type3A = arith.extui %and3A_13 : vector<256x160xi1> to vector<256x160xi32>
    %convert_element_type3A_14 = arith.sitofp %convert_element_type3A : vector<256x160xi32> to vector<256x160xf32>
    %convert_element_type3A_15 = arith.truncf %convert_element_type3A_14 : vector<256x160xf32> to vector<256x160xbf16>
    %get3A_16 = arith.constant 0 : index
    %get3A_17 = arith.constant 0 : index
    %get3A_18 = arith.constant 0 : index
    %get3A_19 = arith.constant 0 : index
    %get3A_20 = vector.load %arg4[%get3A_16, %get3A_17, %get3A_18, %get3A_19] : memref<16x1x160x768xbf16, #tpu.memory_space<vmem>>, vector<1x1x160x768xbf16>
    %get3A_21 = vector.shape_cast %get3A_20 : vector<1x1x160x768xbf16> to vector<160x768xbf16>
    %dot_general3A = arith.constant dense<0.000000e+00> : vector<256x768xf32>
    %dot_general3A_22 = tpu.matmul %convert_element_type3A_15, %get3A_21, %dot_general3A {dimension_numbers = #tpu.dot_dimension_numbers<[1], [0], [0], [1], [0, 0, 1, 1], [], []>, transpose_lhs_hint = false} : vector<256x160xbf16>, vector<160x768xbf16>, vector<256x768xf32> -> vector<256x768xf32>
    %add3A = arith.addf %broadcast_in_dim3A_0, %dot_general3A_22 : vector<256x768xf32>
    %get3A_23 = arith.constant 0 : index
    %get3A_24 = arith.constant 0 : index
    %get3A_25 = arith.constant 1 : index
    %get3A_26 = vector.load %arg2[%get3A_23, %get3A_24, %get3A_25] : memref<1x256x16xi32, #tpu.memory_space<vmem>>, vector<1x256x1xi32>
    %get3A_27 = vector.shape_cast %get3A_26 : vector<1x256x1xi32> to vector<256x1xi32>
    %get3A_28 = arith.constant 0 : index
    %get3A_29 = arith.constant 0 : index
    %get3A_30 = arith.constant 1 : index
    %get3A_31 = vector.load %arg3[%get3A_28, %get3A_29, %get3A_30] : memref<1x256x16xf32, #tpu.memory_space<vmem>>, vector<1x256x1xf32>
    %get3A_32 = vector.shape_cast %get3A_31 : vector<1x256x1xf32> to vector<256x1xf32>
    %eq3A_33 = vector.broadcast %get3A_27 : vector<256x1xi32> to vector<256x160xi32>
    %eq3A_34 = arith.cmpi eq, %iota3A, %eq3A_33 : vector<256x160xi32>
    %gt3A_35 = arith.constant 0.000000e+00 : f32
    %gt3A_36 = vector.broadcast %gt3A_35 : f32 to vector<256x1xf32>
    %gt3A_37 = arith.cmpf ogt, %get3A_32, %gt3A_36 : vector<256x1xf32>
    %and3A_38 = vector.broadcast %gt3A_37 : vector<256x1xi1> to vector<256x160xi1>
    %and3A_39 = arith.andi %eq3A_34, %and3A_38 : vector<256x160xi1>
    %convert_element_type3A_40 = arith.extui %and3A_39 : vector<256x160xi1> to vector<256x160xi32>
    %convert_element_type3A_41 = arith.sitofp %convert_element_type3A_40 : vector<256x160xi32> to vector<256x160xf32>
    %convert_element_type3A_42 = arith.truncf %convert_element_type3A_41 : vector<256x160xf32> to vector<256x160xbf16>
    %get3A_43 = arith.constant 1 : index
    %get3A_44 = arith.constant 0 : index
    %get3A_45 = arith.constant 0 : index
    %get3A_46 = arith.constant 0 : index
    %get3A_47 = vector.load %arg4[%get3A_43, %get3A_44, %get3A_45, %get3A_46] : memref<16x1x160x768xbf16, #tpu.memory_space<vmem>>, vector<1x1x160x768xbf16>
    %get3A_48 = vector.shape_cast %get3A_47 : vector<1x1x160x768xbf16> to vector<160x768xbf16>
    %dot_general3A_49 = arith.constant dense<0.000000e+00> : vector<256x768xf32>
    %dot_general3A_50 = tpu.matmul %convert_element_type3A_42, %get3A_48, %dot_general3A_49 {dimension_numbers = #tpu.dot_dimension_numbers<[1], [0], [0], [1], [0, 0, 1, 1], [], []>, transpose_lhs_hint = false} : vector<256x160xbf16>, vector<160x768xbf16>, vector<256x768xf32> -> vector<256x768xf32>
    %add3A_51 = arith.addf %add3A, %dot_general3A_50 : vector<256x768xf32>
    %get3A_52 = arith.constant 0 : index
    %get3A_53 = arith.constant 0 : index
    %get3A_54 = arith.constant 2 : index
    %get3A_55 = vector.load %arg2[%get3A_52, %get3A_53, %get3A_54] : memref<1x256x16xi32, #tpu.memory_space<vmem>>, vector<1x256x1xi32>
    %get3A_56 = vector.shape_cast %get3A_55 : vector<1x256x1xi32> to vector<256x1xi32>
    %get3A_57 = arith.constant 0 : index
    %get3A_58 = arith.constant 0 : index
    %get3A_59 = arith.constant 2 : index
    %get3A_60 = vector.load %arg3[%get3A_57, %get3A_58, %get3A_59] : memref<1x256x16xf32, #tpu.memory_space<vmem>>, vector<1x256x1xf32>
    %get3A_61 = vector.shape_cast %get3A_60 : vector<1x256x1xf32> to vector<256x1xf32>
    %eq3A_62 = vector.broadcast %get3A_56 : vector<256x1xi32> to vector<256x160xi32>
    %eq3A_63 = arith.cmpi eq, %iota3A, %eq3A_62 : vector<256x160xi32>
    %gt3A_64 = arith.constant 0.000000e+00 : f32
    %gt3A_65 = vector.broadcast %gt3A_64 : f32 to vector<256x1xf32>
    %gt3A_66 = arith.cmpf ogt, %get3A_61, %gt3A_65 : vector<256x1xf32>
    %and3A_67 = vector.broadcast %gt3A_66 : vector<256x1xi1> to vector<256x160xi1>
    %and3A_68 = arith.andi %eq3A_63, %and3A_67 : vector<256x160xi1>
    %convert_element_type3A_69 = arith.extui %and3A_68 : vector<256x160xi1> to vector<256x160xi32>
    %convert_element_type3A_70 = arith.sitofp %convert_element_type3A_69 : vector<256x160xi32> to vector<256x160xf32>
    %convert_element_type3A_71 = arith.truncf %convert_element_type3A_70 : vector<256x160xf32> to vector<256x160xbf16>
    %get3A_72 = arith.constant 2 : index
    %get3A_73 = arith.constant 0 : index
    %get3A_74 = arith.constant 0 : index
    %get3A_75 = arith.constant 0 : index
    %get3A_76 = vector.load %arg4[%get3A_72, %get3A_73, %get3A_74, %get3A_75] : memref<16x1x160x768xbf16, #tpu.memory_space<vmem>>, vector<1x1x160x768xbf16>
    %get3A_77 = vector.shape_cast %get3A_76 : vector<1x1x160x768xbf16> to vector<160x768xbf16>
    %dot_general3A_78 = arith.constant dense<0.000000e+00> : vector<256x768xf32>
    %dot_general3A_79 = tpu.matmul %convert_element_type3A_71, %get3A_77, %dot_general3A_78 {dimension_numbers = #tpu.dot_dimension_numbers<[1], [0], [0], [1], [0, 0, 1, 1], [], []>, transpose_lhs_hint = false} : vector<256x160xbf16>, vector<160x768xbf16>, vector<256x768xf32> -> vector<256x768xf32>
    %add3A_80 = arith.addf %add3A_51, %dot_general3A_79 : vector<256x768xf32>
    %get3A_81 = arith.constant 0 : index
    %get3A_82 = arith.constant 0 : index
    %get3A_83 = arith.constant 3 : index
    %get3A_84 = vector.load %arg2[%get3A_81, %get3A_82, %get3A_83] : memref<1x256x16xi32, #tpu.memory_space<vmem>>, vector<1x256x1xi32>
    %get3A_85 = vector.shape_cast %get3A_84 : vector<1x256x1xi32> to vector<256x1xi32>
    %get3A_86 = arith.constant 0 : index
    %get3A_87 = arith.constant 0 : index
    %get3A_88 = arith.constant 3 : index
    %get3A_89 = vector.load %arg3[%get3A_86, %get3A_87, %get3A_88] : memref<1x256x16xf32, #tpu.memory_space<vmem>>, vector<1x256x1xf32>
    %get3A_90 = vector.shape_cast %get3A_89 : vector<1x256x1xf32> to vector<256x1xf32>
    %eq3A_91 = vector.broadcast %get3A_85 : vector<256x1xi32> to vector<256x160xi32>
    %eq3A_92 = arith.cmpi eq, %iota3A, %eq3A_91 : vector<256x160xi32>
    %gt3A_93 = arith.constant 0.000000e+00 : f32
    %gt3A_94 = vector.broadcast %gt3A_93 : f32 to vector<256x1xf32>
    %gt3A_95 = arith.cmpf ogt, %get3A_90, %gt3A_94 : vector<256x1xf32>
    %and3A_96 = vector.broadcast %gt3A_95 : vector<256x1xi1> to vector<256x160xi1>
    %and3A_97 = arith.andi %eq3A_92, %and3A_96 : vector<256x160xi1>
    %convert_element_type3A_98 = arith.extui %and3A_97 : vector<256x160xi1> to vector<256x160xi32>
    %convert_element_type3A_99 = arith.sitofp %convert_element_type3A_98 : vector<256x160xi32> to vector<256x160xf32>
    %convert_element_type3A_100 = arith.truncf %convert_element_type3A_99 : vector<256x160xf32> to vector<256x160xbf16>
    %get3A_101 = arith.constant 3 : index
    %get3A_102 = arith.constant 0 : index
    %get3A_103 = arith.constant 0 : index
    %get3A_104 = arith.constant 0 : index
    %get3A_105 = vector.load %arg4[%get3A_101, %get3A_102, %get3A_103, %get3A_104] : memref<16x1x160x768xbf16, #tpu.memory_space<vmem>>, vector<1x1x160x768xbf16>
    %get3A_106 = vector.shape_cast %get3A_105 : vector<1x1x160x768xbf16> to vector<160x768xbf16>
    %dot_general3A_107 = arith.constant dense<0.000000e+00> : vector<256x768xf32>
    %dot_general3A_108 = tpu.matmul %convert_element_type3A_100, %get3A_106, %dot_general3A_107 {dimension_numbers = #tpu.dot_dimension_numbers<[1], [0], [0], [1], [0, 0, 1, 1], [], []>, transpose_lhs_hint = false} : vector<256x160xbf16>, vector<160x768xbf16>, vector<256x768xf32> -> vector<256x768xf32>
    %add3A_109 = arith.addf %add3A_80, %dot_general3A_108 : vector<256x768xf32>
    %get3A_110 = arith.constant 0 : index
    %get3A_111 = arith.constant 0 : index
    %get3A_112 = arith.constant 4 : index
    %get3A_113 = vector.load %arg2[%get3A_110, %get3A_111, %get3A_112] : memref<1x256x16xi32, #tpu.memory_space<vmem>>, vector<1x256x1xi32>
    %get3A_114 = vector.shape_cast %get3A_113 : vector<1x256x1xi32> to vector<256x1xi32>
    %get3A_115 = arith.constant 0 : index
    %get3A_116 = arith.constant 0 : index
    %get3A_117 = arith.constant 4 : index
    %get3A_118 = vector.load %arg3[%get3A_115, %get3A_116, %get3A_117] : memref<1x256x16xf32, #tpu.memory_space<vmem>>, vector<1x256x1xf32>
    %get3A_119 = vector.shape_cast %get3A_118 : vector<1x256x1xf32> to vector<256x1xf32>
    %eq3A_120 = vector.broadcast %get3A_114 : vector<256x1xi32> to vector<256x160xi32>
    %eq3A_121 = arith.cmpi eq, %iota3A, %eq3A_120 : vector<256x160xi32>
    %gt3A_122 = arith.constant 0.000000e+00 : f32
    %gt3A_123 = vector.broadcast %gt3A_122 : f32 to vector<256x1xf32>
    %gt3A_124 = arith.cmpf ogt, %get3A_119, %gt3A_123 : vector<256x1xf32>
    %and3A_125 = vector.broadcast %gt3A_124 : vector<256x1xi1> to vector<256x160xi1>
    %and3A_126 = arith.andi %eq3A_121, %and3A_125 : vector<256x160xi1>
    %convert_element_type3A_127 = arith.extui %and3A_126 : vector<256x160xi1> to vector<256x160xi32>
    %convert_element_type3A_128 = arith.sitofp %convert_element_type3A_127 : vector<256x160xi32> to vector<256x160xf32>
    %convert_element_type3A_129 = arith.truncf %convert_element_type3A_128 : vector<256x160xf32> to vector<256x160xbf16>
    %get3A_130 = arith.constant 4 : index
    %get3A_131 = arith.constant 0 : index
    %get3A_132 = arith.constant 0 : index
    %get3A_133 = arith.constant 0 : index
    %get3A_134 = vector.load %arg4[%get3A_130, %get3A_131, %get3A_132, %get3A_133] : memref<16x1x160x768xbf16, #tpu.memory_space<vmem>>, vector<1x1x160x768xbf16>
    %get3A_135 = vector.shape_cast %get3A_134 : vector<1x1x160x768xbf16> to vector<160x768xbf16>
    %dot_general3A_136 = arith.constant dense<0.000000e+00> : vector<256x768xf32>
    %dot_general3A_137 = tpu.matmul %convert_element_type3A_129, %get3A_135, %dot_general3A_136 {dimension_numbers = #tpu.dot_dimension_numbers<[1], [0], [0], [1], [0, 0, 1, 1], [], []>, transpose_lhs_hint = false} : vector<256x160xbf16>, vector<160x768xbf16>, vector<256x768xf32> -> vector<256x768xf32>
    %add3A_138 = arith.addf %add3A_109, %dot_general3A_137 : vector<256x768xf32>
    %get3A_139 = arith.constant 0 : index
    %get3A_140 = arith.constant 0 : index
    %get3A_141 = arith.constant 5 : index
    %get3A_142 = vector.load %arg2[%get3A_139, %get3A_140, %get3A_141] : memref<1x256x16xi32, #tpu.memory_space<vmem>>, vector<1x256x1xi32>
    %get3A_143 = vector.shape_cast %get3A_142 : vector<1x256x1xi32> to vector<256x1xi32>
    %get3A_144 = arith.constant 0 : index
    %get3A_145 = arith.constant 0 : index
    %get3A_146 = arith.constant 5 : index
    %get3A_147 = vector.load %arg3[%get3A_144, %get3A_145, %get3A_146] : memref<1x256x16xf32, #tpu.memory_space<vmem>>, vector<1x256x1xf32>
    %get3A_148 = vector.shape_cast %get3A_147 : vector<1x256x1xf32> to vector<256x1xf32>
    %eq3A_149 = vector.broadcast %get3A_143 : vector<256x1xi32> to vector<256x160xi32>
    %eq3A_150 = arith.cmpi eq, %iota3A, %eq3A_149 : vector<256x160xi32>
    %gt3A_151 = arith.constant 0.000000e+00 : f32
    %gt3A_152 = vector.broadcast %gt3A_151 : f32 to vector<256x1xf32>
    %gt3A_153 = arith.cmpf ogt, %get3A_148, %gt3A_152 : vector<256x1xf32>
    %and3A_154 = vector.broadcast %gt3A_153 : vector<256x1xi1> to vector<256x160xi1>
    %and3A_155 = arith.andi %eq3A_150, %and3A_154 : vector<256x160xi1>
    %convert_element_type3A_156 = arith.extui %and3A_155 : vector<256x160xi1> to vector<256x160xi32>
    %convert_element_type3A_157 = arith.sitofp %convert_element_type3A_156 : vector<256x160xi32> to vector<256x160xf32>
    %convert_element_type3A_158 = arith.truncf %convert_element_type3A_157 : vector<256x160xf32> to vector<256x160xbf16>
    %get3A_159 = arith.constant 5 : index
    %get3A_160 = arith.constant 0 : index
    %get3A_161 = arith.constant 0 : index
    %get3A_162 = arith.constant 0 : index
    %get3A_163 = vector.load %arg4[%get3A_159, %get3A_160, %get3A_161, %get3A_162] : memref<16x1x160x768xbf16, #tpu.memory_space<vmem>>, vector<1x1x160x768xbf16>
    %get3A_164 = vector.shape_cast %get3A_163 : vector<1x1x160x768xbf16> to vector<160x768xbf16>
    %dot_general3A_165 = arith.constant dense<0.000000e+00> : vector<256x768xf32>
    %dot_general3A_166 = tpu.matmul %convert_element_type3A_158, %get3A_164, %dot_general3A_165 {dimension_numbers = #tpu.dot_dimension_numbers<[1], [0], [0], [1], [0, 0, 1, 1], [], []>, transpose_lhs_hint = false} : vector<256x160xbf16>, vector<160x768xbf16>, vector<256x768xf32> -> vector<256x768xf32>
    %add3A_167 = arith.addf %add3A_138, %dot_general3A_166 : vector<256x768xf32>
    %get3A_168 = arith.constant 0 : index
    %get3A_169 = arith.constant 0 : index
    %get3A_170 = arith.constant 6 : index
    %get3A_171 = vector.load %arg2[%get3A_168, %get3A_169, %get3A_170] : memref<1x256x16xi32, #tpu.memory_space<vmem>>, vector<1x256x1xi32>
    %get3A_172 = vector.shape_cast %get3A_171 : vector<1x256x1xi32> to vector<256x1xi32>
    %get3A_173 = arith.constant 0 : index
    %get3A_174 = arith.constant 0 : index
    %get3A_175 = arith.constant 6 : index
    %get3A_176 = vector.load %arg3[%get3A_173, %get3A_174, %get3A_175] : memref<1x256x16xf32, #tpu.memory_space<vmem>>, vector<1x256x1xf32>
    %get3A_177 = vector.shape_cast %get3A_176 : vector<1x256x1xf32> to vector<256x1xf32>
    %eq3A_178 = vector.broadcast %get3A_172 : vector<256x1xi32> to vector<256x160xi32>
    %eq3A_179 = arith.cmpi eq, %iota3A, %eq3A_178 : vector<256x160xi32>
    %gt3A_180 = arith.constant 0.000000e+00 : f32
    %gt3A_181 = vector.broadcast %gt3A_180 : f32 to vector<256x1xf32>
    %gt3A_182 = arith.cmpf ogt, %get3A_177, %gt3A_181 : vector<256x1xf32>
    %and3A_183 = vector.broadcast %gt3A_182 : vector<256x1xi1> to vector<256x160xi1>
    %and3A_184 = arith.andi %eq3A_179, %and3A_183 : vector<256x160xi1>
    %convert_element_type3A_185 = arith.extui %and3A_184 : vector<256x160xi1> to vector<256x160xi32>
    %convert_element_type3A_186 = arith.sitofp %convert_element_type3A_185 : vector<256x160xi32> to vector<256x160xf32>
    %convert_element_type3A_187 = arith.truncf %convert_element_type3A_186 : vector<256x160xf32> to vector<256x160xbf16>
    %get3A_188 = arith.constant 6 : index
    %get3A_189 = arith.constant 0 : index
    %get3A_190 = arith.constant 0 : index
    %get3A_191 = arith.constant 0 : index
    %get3A_192 = vector.load %arg4[%get3A_188, %get3A_189, %get3A_190, %get3A_191] : memref<16x1x160x768xbf16, #tpu.memory_space<vmem>>, vector<1x1x160x768xbf16>
    %get3A_193 = vector.shape_cast %get3A_192 : vector<1x1x160x768xbf16> to vector<160x768xbf16>
    %dot_general3A_194 = arith.constant dense<0.000000e+00> : vector<256x768xf32>
    %dot_general3A_195 = tpu.matmul %convert_element_type3A_187, %get3A_193, %dot_general3A_194 {dimension_numbers = #tpu.dot_dimension_numbers<[1], [0], [0], [1], [0, 0, 1, 1], [], []>, transpose_lhs_hint = false} : vector<256x160xbf16>, vector<160x768xbf16>, vector<256x768xf32> -> vector<256x768xf32>
    %add3A_196 = arith.addf %add3A_167, %dot_general3A_195 : vector<256x768xf32>
    %get3A_197 = arith.constant 0 : index
    %get3A_198 = arith.constant 0 : index
    %get3A_199 = arith.constant 7 : index
    %get3A_200 = vector.load %arg2[%get3A_197, %get3A_198, %get3A_199] : memref<1x256x16xi32, #tpu.memory_space<vmem>>, vector<1x256x1xi32>
    %get3A_201 = vector.shape_cast %get3A_200 : vector<1x256x1xi32> to vector<256x1xi32>
    %get3A_202 = arith.constant 0 : index
    %get3A_203 = arith.constant 0 : index
    %get3A_204 = arith.constant 7 : index
    %get3A_205 = vector.load %arg3[%get3A_202, %get3A_203, %get3A_204] : memref<1x256x16xf32, #tpu.memory_space<vmem>>, vector<1x256x1xf32>
    %get3A_206 = vector.shape_cast %get3A_205 : vector<1x256x1xf32> to vector<256x1xf32>
    %eq3A_207 = vector.broadcast %get3A_201 : vector<256x1xi32> to vector<256x160xi32>
    %eq3A_208 = arith.cmpi eq, %iota3A, %eq3A_207 : vector<256x160xi32>
    %gt3A_209 = arith.constant 0.000000e+00 : f32
    %gt3A_210 = vector.broadcast %gt3A_209 : f32 to vector<256x1xf32>
    %gt3A_211 = arith.cmpf ogt, %get3A_206, %gt3A_210 : vector<256x1xf32>
    %and3A_212 = vector.broadcast %gt3A_211 : vector<256x1xi1> to vector<256x160xi1>
    %and3A_213 = arith.andi %eq3A_208, %and3A_212 : vector<256x160xi1>
    %convert_element_type3A_214 = arith.extui %and3A_213 : vector<256x160xi1> to vector<256x160xi32>
    %convert_element_type3A_215 = arith.sitofp %convert_element_type3A_214 : vector<256x160xi32> to vector<256x160xf32>
    %convert_element_type3A_216 = arith.truncf %convert_element_type3A_215 : vector<256x160xf32> to vector<256x160xbf16>
    %get3A_217 = arith.constant 7 : index
    %get3A_218 = arith.constant 0 : index
    %get3A_219 = arith.constant 0 : index
    %get3A_220 = arith.constant 0 : index
    %get3A_221 = vector.load %arg4[%get3A_217, %get3A_218, %get3A_219, %get3A_220] : memref<16x1x160x768xbf16, #tpu.memory_space<vmem>>, vector<1x1x160x768xbf16>
    %get3A_222 = vector.shape_cast %get3A_221 : vector<1x1x160x768xbf16> to vector<160x768xbf16>
    %dot_general3A_223 = arith.constant dense<0.000000e+00> : vector<256x768xf32>
    %dot_general3A_224 = tpu.matmul %convert_element_type3A_216, %get3A_222, %dot_general3A_223 {dimension_numbers = #tpu.dot_dimension_numbers<[1], [0], [0], [1], [0, 0, 1, 1], [], []>, transpose_lhs_hint = false} : vector<256x160xbf16>, vector<160x768xbf16>, vector<256x768xf32> -> vector<256x768xf32>
    %add3A_225 = arith.addf %add3A_196, %dot_general3A_224 : vector<256x768xf32>
    %get3A_226 = arith.constant 0 : index
    %get3A_227 = arith.constant 0 : index
    %get3A_228 = arith.constant 8 : index
    %get3A_229 = vector.load %arg2[%get3A_226, %get3A_227, %get3A_228] : memref<1x256x16xi32, #tpu.memory_space<vmem>>, vector<1x256x1xi32>
    %get3A_230 = vector.shape_cast %get3A_229 : vector<1x256x1xi32> to vector<256x1xi32>
    %get3A_231 = arith.constant 0 : index
    %get3A_232 = arith.constant 0 : index
    %get3A_233 = arith.constant 8 : index
    %get3A_234 = vector.load %arg3[%get3A_231, %get3A_232, %get3A_233] : memref<1x256x16xf32, #tpu.memory_space<vmem>>, vector<1x256x1xf32>
    %get3A_235 = vector.shape_cast %get3A_234 : vector<1x256x1xf32> to vector<256x1xf32>
    %eq3A_236 = vector.broadcast %get3A_230 : vector<256x1xi32> to vector<256x160xi32>
    %eq3A_237 = arith.cmpi eq, %iota3A, %eq3A_236 : vector<256x160xi32>
    %gt3A_238 = arith.constant 0.000000e+00 : f32
    %gt3A_239 = vector.broadcast %gt3A_238 : f32 to vector<256x1xf32>
    %gt3A_240 = arith.cmpf ogt, %get3A_235, %gt3A_239 : vector<256x1xf32>
    %and3A_241 = vector.broadcast %gt3A_240 : vector<256x1xi1> to vector<256x160xi1>
    %and3A_242 = arith.andi %eq3A_237, %and3A_241 : vector<256x160xi1>
    %convert_element_type3A_243 = arith.extui %and3A_242 : vector<256x160xi1> to vector<256x160xi32>
    %convert_element_type3A_244 = arith.sitofp %convert_element_type3A_243 : vector<256x160xi32> to vector<256x160xf32>
    %convert_element_type3A_245 = arith.truncf %convert_element_type3A_244 : vector<256x160xf32> to vector<256x160xbf16>
    %get3A_246 = arith.constant 8 : index
    %get3A_247 = arith.constant 0 : index
    %get3A_248 = arith.constant 0 : index
    %get3A_249 = arith.constant 0 : index
    %get3A_250 = vector.load %arg4[%get3A_246, %get3A_247, %get3A_248, %get3A_249] : memref<16x1x160x768xbf16, #tpu.memory_space<vmem>>, vector<1x1x160x768xbf16>
    %get3A_251 = vector.shape_cast %get3A_250 : vector<1x1x160x768xbf16> to vector<160x768xbf16>
    %dot_general3A_252 = arith.constant dense<0.000000e+00> : vector<256x768xf32>
    %dot_general3A_253 = tpu.matmul %convert_element_type3A_245, %get3A_251, %dot_general3A_252 {dimension_numbers = #tpu.dot_dimension_numbers<[1], [0], [0], [1], [0, 0, 1, 1], [], []>, transpose_lhs_hint = false} : vector<256x160xbf16>, vector<160x768xbf16>, vector<256x768xf32> -> vector<256x768xf32>
    %add3A_254 = arith.addf %add3A_225, %dot_general3A_253 : vector<256x768xf32>
    %get3A_255 = arith.constant 0 : index
    %get3A_256 = arith.constant 0 : index
    %get3A_257 = arith.constant 9 : index
    %get3A_258 = vector.load %arg2[%get3A_255, %get3A_256, %get3A_257] : memref<1x256x16xi32, #tpu.memory_space<vmem>>, vector<1x256x1xi32>
    %get3A_259 = vector.shape_cast %get3A_258 : vector<1x256x1xi32> to vector<256x1xi32>
    %get3A_260 = arith.constant 0 : index
    %get3A_261 = arith.constant 0 : index
    %get3A_262 = arith.constant 9 : index
    %get3A_263 = vector.load %arg3[%get3A_260, %get3A_261, %get3A_262] : memref<1x256x16xf32, #tpu.memory_space<vmem>>, vector<1x256x1xf32>
    %get3A_264 = vector.shape_cast %get3A_263 : vector<1x256x1xf32> to vector<256x1xf32>
    %eq3A_265 = vector.broadcast %get3A_259 : vector<256x1xi32> to vector<256x160xi32>
    %eq3A_266 = arith.cmpi eq, %iota3A, %eq3A_265 : vector<256x160xi32>
    %gt3A_267 = arith.constant 0.000000e+00 : f32
    %gt3A_268 = vector.broadcast %gt3A_267 : f32 to vector<256x1xf32>
    %gt3A_269 = arith.cmpf ogt, %get3A_264, %gt3A_268 : vector<256x1xf32>
    %and3A_270 = vector.broadcast %gt3A_269 : vector<256x1xi1> to vector<256x160xi1>
    %and3A_271 = arith.andi %eq3A_266, %and3A_270 : vector<256x160xi1>
    %convert_element_type3A_272 = arith.extui %and3A_271 : vector<256x160xi1> to vector<256x160xi32>
    %convert_element_type3A_273 = arith.sitofp %convert_element_type3A_272 : vector<256x160xi32> to vector<256x160xf32>
    %convert_element_type3A_274 = arith.truncf %convert_element_type3A_273 : vector<256x160xf32> to vector<256x160xbf16>
    %get3A_275 = arith.constant 9 : index
    %get3A_276 = arith.constant 0 : index
    %get3A_277 = arith.constant 0 : index
    %get3A_278 = arith.constant 0 : index
    %get3A_279 = vector.load %arg4[%get3A_275, %get3A_276, %get3A_277, %get3A_278] : memref<16x1x160x768xbf16, #tpu.memory_space<vmem>>, vector<1x1x160x768xbf16>
    %get3A_280 = vector.shape_cast %get3A_279 : vector<1x1x160x768xbf16> to vector<160x768xbf16>
    %dot_general3A_281 = arith.constant dense<0.000000e+00> : vector<256x768xf32>
    %dot_general3A_282 = tpu.matmul %convert_element_type3A_274, %get3A_280, %dot_general3A_281 {dimension_numbers = #tpu.dot_dimension_numbers<[1], [0], [0], [1], [0, 0, 1, 1], [], []>, transpose_lhs_hint = false} : vector<256x160xbf16>, vector<160x768xbf16>, vector<256x768xf32> -> vector<256x768xf32>
    %add3A_283 = arith.addf %add3A_254, %dot_general3A_282 : vector<256x768xf32>
    %get3A_284 = arith.constant 0 : index
    %get3A_285 = arith.constant 0 : index
    %get3A_286 = arith.constant 10 : index
    %get3A_287 = vector.load %arg2[%get3A_284, %get3A_285, %get3A_286] : memref<1x256x16xi32, #tpu.memory_space<vmem>>, vector<1x256x1xi32>
    %get3A_288 = vector.shape_cast %get3A_287 : vector<1x256x1xi32> to vector<256x1xi32>
    %get3A_289 = arith.constant 0 : index
    %get3A_290 = arith.constant 0 : index
    %get3A_291 = arith.constant 10 : index
    %get3A_292 = vector.load %arg3[%get3A_289, %get3A_290, %get3A_291] : memref<1x256x16xf32, #tpu.memory_space<vmem>>, vector<1x256x1xf32>
    %get3A_293 = vector.shape_cast %get3A_292 : vector<1x256x1xf32> to vector<256x1xf32>
    %eq3A_294 = vector.broadcast %get3A_288 : vector<256x1xi32> to vector<256x160xi32>
    %eq3A_295 = arith.cmpi eq, %iota3A, %eq3A_294 : vector<256x160xi32>
    %gt3A_296 = arith.constant 0.000000e+00 : f32
    %gt3A_297 = vector.broadcast %gt3A_296 : f32 to vector<256x1xf32>
    %gt3A_298 = arith.cmpf ogt, %get3A_293, %gt3A_297 : vector<256x1xf32>
    %and3A_299 = vector.broadcast %gt3A_298 : vector<256x1xi1> to vector<256x160xi1>
    %and3A_300 = arith.andi %eq3A_295, %and3A_299 : vector<256x160xi1>
    %convert_element_type3A_301 = arith.extui %and3A_300 : vector<256x160xi1> to vector<256x160xi32>
    %convert_element_type3A_302 = arith.sitofp %convert_element_type3A_301 : vector<256x160xi32> to vector<256x160xf32>
    %convert_element_type3A_303 = arith.truncf %convert_element_type3A_302 : vector<256x160xf32> to vector<256x160xbf16>
    %get3A_304 = arith.constant 10 : index
    %get3A_305 = arith.constant 0 : index
    %get3A_306 = arith.constant 0 : index
    %get3A_307 = arith.constant 0 : index
    %get3A_308 = vector.load %arg4[%get3A_304, %get3A_305, %get3A_306, %get3A_307] : memref<16x1x160x768xbf16, #tpu.memory_space<vmem>>, vector<1x1x160x768xbf16>
    %get3A_309 = vector.shape_cast %get3A_308 : vector<1x1x160x768xbf16> to vector<160x768xbf16>
    %dot_general3A_310 = arith.constant dense<0.000000e+00> : vector<256x768xf32>
    %dot_general3A_311 = tpu.matmul %convert_element_type3A_303, %get3A_309, %dot_general3A_310 {dimension_numbers = #tpu.dot_dimension_numbers<[1], [0], [0], [1], [0, 0, 1, 1], [], []>, transpose_lhs_hint = false} : vector<256x160xbf16>, vector<160x768xbf16>, vector<256x768xf32> -> vector<256x768xf32>
    %add3A_312 = arith.addf %add3A_283, %dot_general3A_311 : vector<256x768xf32>
    %get3A_313 = arith.constant 0 : index
    %get3A_314 = arith.constant 0 : index
    %get3A_315 = arith.constant 11 : index
    %get3A_316 = vector.load %arg2[%get3A_313, %get3A_314, %get3A_315] : memref<1x256x16xi32, #tpu.memory_space<vmem>>, vector<1x256x1xi32>
    %get3A_317 = vector.shape_cast %get3A_316 : vector<1x256x1xi32> to vector<256x1xi32>
    %get3A_318 = arith.constant 0 : index
    %get3A_319 = arith.constant 0 : index
    %get3A_320 = arith.constant 11 : index
    %get3A_321 = vector.load %arg3[%get3A_318, %get3A_319, %get3A_320] : memref<1x256x16xf32, #tpu.memory_space<vmem>>, vector<1x256x1xf32>
    %get3A_322 = vector.shape_cast %get3A_321 : vector<1x256x1xf32> to vector<256x1xf32>
    %eq3A_323 = vector.broadcast %get3A_317 : vector<256x1xi32> to vector<256x160xi32>
    %eq3A_324 = arith.cmpi eq, %iota3A, %eq3A_323 : vector<256x160xi32>
    %gt3A_325 = arith.constant 0.000000e+00 : f32
    %gt3A_326 = vector.broadcast %gt3A_325 : f32 to vector<256x1xf32>
    %gt3A_327 = arith.cmpf ogt, %get3A_322, %gt3A_326 : vector<256x1xf32>
    %and3A_328 = vector.broadcast %gt3A_327 : vector<256x1xi1> to vector<256x160xi1>
    %and3A_329 = arith.andi %eq3A_324, %and3A_328 : vector<256x160xi1>
    %convert_element_type3A_330 = arith.extui %and3A_329 : vector<256x160xi1> to vector<256x160xi32>
    %convert_element_type3A_331 = arith.sitofp %convert_element_type3A_330 : vector<256x160xi32> to vector<256x160xf32>
    %convert_element_type3A_332 = arith.truncf %convert_element_type3A_331 : vector<256x160xf32> to vector<256x160xbf16>
    %get3A_333 = arith.constant 11 : index
    %get3A_334 = arith.constant 0 : index
    %get3A_335 = arith.constant 0 : index
    %get3A_336 = arith.constant 0 : index
    %get3A_337 = vector.load %arg4[%get3A_333, %get3A_334, %get3A_335, %get3A_336] : memref<16x1x160x768xbf16, #tpu.memory_space<vmem>>, vector<1x1x160x768xbf16>
    %get3A_338 = vector.shape_cast %get3A_337 : vector<1x1x160x768xbf16> to vector<160x768xbf16>
    %dot_general3A_339 = arith.constant dense<0.000000e+00> : vector<256x768xf32>
    %dot_general3A_340 = tpu.matmul %convert_element_type3A_332, %get3A_338, %dot_general3A_339 {dimension_numbers = #tpu.dot_dimension_numbers<[1], [0], [0], [1], [0, 0, 1, 1], [], []>, transpose_lhs_hint = false} : vector<256x160xbf16>, vector<160x768xbf16>, vector<256x768xf32> -> vector<256x768xf32>
    %add3A_341 = arith.addf %add3A_312, %dot_general3A_340 : vector<256x768xf32>
    %get3A_342 = arith.constant 0 : index
    %get3A_343 = arith.constant 0 : index
    %get3A_344 = arith.constant 12 : index
    %get3A_345 = vector.load %arg2[%get3A_342, %get3A_343, %get3A_344] : memref<1x256x16xi32, #tpu.memory_space<vmem>>, vector<1x256x1xi32>
    %get3A_346 = vector.shape_cast %get3A_345 : vector<1x256x1xi32> to vector<256x1xi32>
    %get3A_347 = arith.constant 0 : index
    %get3A_348 = arith.constant 0 : index
    %get3A_349 = arith.constant 12 : index
    %get3A_350 = vector.load %arg3[%get3A_347, %get3A_348, %get3A_349] : memref<1x256x16xf32, #tpu.memory_space<vmem>>, vector<1x256x1xf32>
    %get3A_351 = vector.shape_cast %get3A_350 : vector<1x256x1xf32> to vector<256x1xf32>
    %eq3A_352 = vector.broadcast %get3A_346 : vector<256x1xi32> to vector<256x160xi32>
    %eq3A_353 = arith.cmpi eq, %iota3A, %eq3A_352 : vector<256x160xi32>
    %gt3A_354 = arith.constant 0.000000e+00 : f32
    %gt3A_355 = vector.broadcast %gt3A_354 : f32 to vector<256x1xf32>
    %gt3A_356 = arith.cmpf ogt, %get3A_351, %gt3A_355 : vector<256x1xf32>
    %and3A_357 = vector.broadcast %gt3A_356 : vector<256x1xi1> to vector<256x160xi1>
    %and3A_358 = arith.andi %eq3A_353, %and3A_357 : vector<256x160xi1>
    %convert_element_type3A_359 = arith.extui %and3A_358 : vector<256x160xi1> to vector<256x160xi32>
    %convert_element_type3A_360 = arith.sitofp %convert_element_type3A_359 : vector<256x160xi32> to vector<256x160xf32>
    %convert_element_type3A_361 = arith.truncf %convert_element_type3A_360 : vector<256x160xf32> to vector<256x160xbf16>
    %get3A_362 = arith.constant 12 : index
    %get3A_363 = arith.constant 0 : index
    %get3A_364 = arith.constant 0 : index
    %get3A_365 = arith.constant 0 : index
    %get3A_366 = vector.load %arg4[%get3A_362, %get3A_363, %get3A_364, %get3A_365] : memref<16x1x160x768xbf16, #tpu.memory_space<vmem>>, vector<1x1x160x768xbf16>
    %get3A_367 = vector.shape_cast %get3A_366 : vector<1x1x160x768xbf16> to vector<160x768xbf16>
    %dot_general3A_368 = arith.constant dense<0.000000e+00> : vector<256x768xf32>
    %dot_general3A_369 = tpu.matmul %convert_element_type3A_361, %get3A_367, %dot_general3A_368 {dimension_numbers = #tpu.dot_dimension_numbers<[1], [0], [0], [1], [0, 0, 1, 1], [], []>, transpose_lhs_hint = false} : vector<256x160xbf16>, vector<160x768xbf16>, vector<256x768xf32> -> vector<256x768xf32>
    %add3A_370 = arith.addf %add3A_341, %dot_general3A_369 : vector<256x768xf32>
    %get3A_371 = arith.constant 0 : index
    %get3A_372 = arith.constant 0 : index
    %get3A_373 = arith.constant 13 : index
    %get3A_374 = vector.load %arg2[%get3A_371, %get3A_372, %get3A_373] : memref<1x256x16xi32, #tpu.memory_space<vmem>>, vector<1x256x1xi32>
    %get3A_375 = vector.shape_cast %get3A_374 : vector<1x256x1xi32> to vector<256x1xi32>
    %get3A_376 = arith.constant 0 : index
    %get3A_377 = arith.constant 0 : index
    %get3A_378 = arith.constant 13 : index
    %get3A_379 = vector.load %arg3[%get3A_376, %get3A_377, %get3A_378] : memref<1x256x16xf32, #tpu.memory_space<vmem>>, vector<1x256x1xf32>
    %get3A_380 = vector.shape_cast %get3A_379 : vector<1x256x1xf32> to vector<256x1xf32>
    %eq3A_381 = vector.broadcast %get3A_375 : vector<256x1xi32> to vector<256x160xi32>
    %eq3A_382 = arith.cmpi eq, %iota3A, %eq3A_381 : vector<256x160xi32>
    %gt3A_383 = arith.constant 0.000000e+00 : f32
    %gt3A_384 = vector.broadcast %gt3A_383 : f32 to vector<256x1xf32>
    %gt3A_385 = arith.cmpf ogt, %get3A_380, %gt3A_384 : vector<256x1xf32>
    %and3A_386 = vector.broadcast %gt3A_385 : vector<256x1xi1> to vector<256x160xi1>
    %and3A_387 = arith.andi %eq3A_382, %and3A_386 : vector<256x160xi1>
    %convert_element_type3A_388 = arith.extui %and3A_387 : vector<256x160xi1> to vector<256x160xi32>
    %convert_element_type3A_389 = arith.sitofp %convert_element_type3A_388 : vector<256x160xi32> to vector<256x160xf32>
    %convert_element_type3A_390 = arith.truncf %convert_element_type3A_389 : vector<256x160xf32> to vector<256x160xbf16>
    %get3A_391 = arith.constant 13 : index
    %get3A_392 = arith.constant 0 : index
    %get3A_393 = arith.constant 0 : index
    %get3A_394 = arith.constant 0 : index
    %get3A_395 = vector.load %arg4[%get3A_391, %get3A_392, %get3A_393, %get3A_394] : memref<16x1x160x768xbf16, #tpu.memory_space<vmem>>, vector<1x1x160x768xbf16>
    %get3A_396 = vector.shape_cast %get3A_395 : vector<1x1x160x768xbf16> to vector<160x768xbf16>
    %dot_general3A_397 = arith.constant dense<0.000000e+00> : vector<256x768xf32>
    %dot_general3A_398 = tpu.matmul %convert_element_type3A_390, %get3A_396, %dot_general3A_397 {dimension_numbers = #tpu.dot_dimension_numbers<[1], [0], [0], [1], [0, 0, 1, 1], [], []>, transpose_lhs_hint = false} : vector<256x160xbf16>, vector<160x768xbf16>, vector<256x768xf32> -> vector<256x768xf32>
    %add3A_399 = arith.addf %add3A_370, %dot_general3A_398 : vector<256x768xf32>
    %get3A_400 = arith.constant 0 : index
    %get3A_401 = arith.constant 0 : index
    %get3A_402 = arith.constant 14 : index
    %get3A_403 = vector.load %arg2[%get3A_400, %get3A_401, %get3A_402] : memref<1x256x16xi32, #tpu.memory_space<vmem>>, vector<1x256x1xi32>
    %get3A_404 = vector.shape_cast %get3A_403 : vector<1x256x1xi32> to vector<256x1xi32>
    %get3A_405 = arith.constant 0 : index
    %get3A_406 = arith.constant 0 : index
    %get3A_407 = arith.constant 14 : index
    %get3A_408 = vector.load %arg3[%get3A_405, %get3A_406, %get3A_407] : memref<1x256x16xf32, #tpu.memory_space<vmem>>, vector<1x256x1xf32>
    %get3A_409 = vector.shape_cast %get3A_408 : vector<1x256x1xf32> to vector<256x1xf32>
    %eq3A_410 = vector.broadcast %get3A_404 : vector<256x1xi32> to vector<256x160xi32>
    %eq3A_411 = arith.cmpi eq, %iota3A, %eq3A_410 : vector<256x160xi32>
    %gt3A_412 = arith.constant 0.000000e+00 : f32
    %gt3A_413 = vector.broadcast %gt3A_412 : f32 to vector<256x1xf32>
    %gt3A_414 = arith.cmpf ogt, %get3A_409, %gt3A_413 : vector<256x1xf32>
    %and3A_415 = vector.broadcast %gt3A_414 : vector<256x1xi1> to vector<256x160xi1>
    %and3A_416 = arith.andi %eq3A_411, %and3A_415 : vector<256x160xi1>
    %convert_element_type3A_417 = arith.extui %and3A_416 : vector<256x160xi1> to vector<256x160xi32>
    %convert_element_type3A_418 = arith.sitofp %convert_element_type3A_417 : vector<256x160xi32> to vector<256x160xf32>
    %convert_element_type3A_419 = arith.truncf %convert_element_type3A_418 : vector<256x160xf32> to vector<256x160xbf16>
    %get3A_420 = arith.constant 14 : index
    %get3A_421 = arith.constant 0 : index
    %get3A_422 = arith.constant 0 : index
    %get3A_423 = arith.constant 0 : index
    %get3A_424 = vector.load %arg4[%get3A_420, %get3A_421, %get3A_422, %get3A_423] : memref<16x1x160x768xbf16, #tpu.memory_space<vmem>>, vector<1x1x160x768xbf16>
    %get3A_425 = vector.shape_cast %get3A_424 : vector<1x1x160x768xbf16> to vector<160x768xbf16>
    %dot_general3A_426 = arith.constant dense<0.000000e+00> : vector<256x768xf32>
    %dot_general3A_427 = tpu.matmul %convert_element_type3A_419, %get3A_425, %dot_general3A_426 {dimension_numbers = #tpu.dot_dimension_numbers<[1], [0], [0], [1], [0, 0, 1, 1], [], []>, transpose_lhs_hint = false} : vector<256x160xbf16>, vector<160x768xbf16>, vector<256x768xf32> -> vector<256x768xf32>
    %add3A_428 = arith.addf %add3A_399, %dot_general3A_427 : vector<256x768xf32>
    %get3A_429 = arith.constant 0 : index
    %get3A_430 = arith.constant 0 : index
    %get3A_431 = arith.constant 15 : index
    %get3A_432 = vector.load %arg2[%get3A_429, %get3A_430, %get3A_431] : memref<1x256x16xi32, #tpu.memory_space<vmem>>, vector<1x256x1xi32>
    %get3A_433 = vector.shape_cast %get3A_432 : vector<1x256x1xi32> to vector<256x1xi32>
    %get3A_434 = arith.constant 0 : index
    %get3A_435 = arith.constant 0 : index
    %get3A_436 = arith.constant 15 : index
    %get3A_437 = vector.load %arg3[%get3A_434, %get3A_435, %get3A_436] : memref<1x256x16xf32, #tpu.memory_space<vmem>>, vector<1x256x1xf32>
    %get3A_438 = vector.shape_cast %get3A_437 : vector<1x256x1xf32> to vector<256x1xf32>
    %eq3A_439 = vector.broadcast %get3A_433 : vector<256x1xi32> to vector<256x160xi32>
    %eq3A_440 = arith.cmpi eq, %iota3A, %eq3A_439 : vector<256x160xi32>
    %gt3A_441 = arith.constant 0.000000e+00 : f32
    %gt3A_442 = vector.broadcast %gt3A_441 : f32 to vector<256x1xf32>
    %gt3A_443 = arith.cmpf ogt, %get3A_438, %gt3A_442 : vector<256x1xf32>
    %and3A_444 = vector.broadcast %gt3A_443 : vector<256x1xi1> to vector<256x160xi1>
    %and3A_445 = arith.andi %eq3A_440, %and3A_444 : vector<256x160xi1>
    %convert_element_type3A_446 = arith.extui %and3A_445 : vector<256x160xi1> to vector<256x160xi32>
    %convert_element_type3A_447 = arith.sitofp %convert_element_type3A_446 : vector<256x160xi32> to vector<256x160xf32>
    %convert_element_type3A_448 = arith.truncf %convert_element_type3A_447 : vector<256x160xf32> to vector<256x160xbf16>
    %get3A_449 = arith.constant 15 : index
    %get3A_450 = arith.constant 0 : index
    %get3A_451 = arith.constant 0 : index
    %get3A_452 = arith.constant 0 : index
    %get3A_453 = vector.load %arg4[%get3A_449, %get3A_450, %get3A_451, %get3A_452] : memref<16x1x160x768xbf16, #tpu.memory_space<vmem>>, vector<1x1x160x768xbf16>
    %get3A_454 = vector.shape_cast %get3A_453 : vector<1x1x160x768xbf16> to vector<160x768xbf16>
    %dot_general3A_455 = arith.constant dense<0.000000e+00> : vector<256x768xf32>
    %dot_general3A_456 = tpu.matmul %convert_element_type3A_448, %get3A_454, %dot_general3A_455 {dimension_numbers = #tpu.dot_dimension_numbers<[1], [0], [0], [1], [0, 0, 1, 1], [], []>, transpose_lhs_hint = false} : vector<256x160xbf16>, vector<160x768xbf16>, vector<256x768xf32> -> vector<256x768xf32>
    %add3A_457 = arith.addf %add3A_428, %dot_general3A_456 : vector<256x768xf32>
    %swap3A = arith.constant 0 : index
    %swap3A_458 = arith.constant 0 : index
    %swap3A_459 = arith.constant 0 : index
    %swap3A_460 = vector.load %arg5[%swap3A, %swap3A_458, %swap3A_459] : memref<1x256x768xf32, #tpu.memory_space<vmem>>, vector<1x256x768xf32>
    %swap3A_461 = vector.shape_cast %swap3A_460 : vector<1x256x768xf32> to vector<256x768xf32>
    %swap3A_462 = vector.shape_cast %add3A_457 : vector<256x768xf32> to vector<1x256x768xf32>
    tpu.vector_store %arg5[%swap3A, %swap3A_458, %swap3A_459], %swap3A_462 {strides = array<i32>} : memref<1x256x768xf32, #tpu.memory_space<vmem>>, vector<1x256x768xf32>,
    return
  }
  func.func @transform_0(%arg0: i32, %arg1: i32) -> (i32, i32, i32) {
    %c0_i32 = arith.constant 0 : i32
    %c0_i32_0 = arith.constant 0 : i32
    return %arg0, %arg1, %c0_i32 : i32, i32, i32
  }
  func.func @transform_1(%arg0: i32, %arg1: i32) -> (i32, i32, i32) {
    %c0_i32 = arith.constant 0 : i32
    %c0_i32_0 = arith.constant 0 : i32
    return %arg0, %arg1, %c0_i32 : i32, i32, i32
  }
  func.func @transform_2(%arg0: i32, %arg1: i32) -> (i32, i32, i32, i32) {
    %c0_i32 = arith.constant 0 : i32
    %c0_i32_0 = arith.constant 0 : i32
    %c0_i32_1 = arith.constant 0 : i32
    %c0_i32_2 = arith.constant 0 : i32
    return %c0_i32, %arg0, %c0_i32_0, %c0_i32_1 : i32, i32, i32, i32
  }
  func.func @transform_3(%arg0: i32, %arg1: i32) -> (i32, i32, i32) {
    %c0_i32 = arith.constant 0 : i32
    %c0_i32_0 = arith.constant 0 : i32
    return %arg0, %arg1, %c0_i32 : i32, i32, i32
  }
}

</mosaic_0001>

<sc_bundles>
// kernel: kernel.6.cloned.1.call-start
scs
__scs_entry_jumppad:
0x0: {  	(pc) =	sbr.rel $0x88, $3  }
0x1: {  	(tag) =	ssettag $0x0;
	lr =	simm.s32 $0x1  }
0x2: {  	[smem:$0x3F9D] =	sst lr;
	_ =	strace $0xD0000000  }
0x3: {  	_ = 	snop  }
0x4: {  	_ = 	snop  }
0x5: {  	_ = 	snop  }
0x6: {  	_ = 	snop  }
0x7: {  	_ = 	snop  }
__scs_overlays_trampoline_lowered:
0x8: {  	[smem:$0x3FAC] =	sst s0  }
0x9: {  	[smem:$0x3FAD] =	sst s1  }
0xa: {  	[smem:$0x3FAE] =	sst s2  }
0xb: {  	[smem:$0x3FAF] =	sst s3  }
0xc: {  	[smem:$0x3FB0] =	sst s4  }
0xd: {  	[smem:$0x3FB1] =	sst s5  }
0xe: {  	[smem:$0x3FB2] =	sst s6  }
0xf: {  	[smem:$0x3FB3] =	sst s7  }
0x10: {  	[smem:$0x3FB4] =	sst s8  }
0x11: {  	[smem:$0x3FB5] =	sst s9;
	s0 =	simm.s32 @!p0 $0x0  }
0x12: {  	s1 =	sld [smem:$0x3F9B];
	s0 =	simm.s32 @p0 $0x1  }
0x13: {  	[smem:$0x3FB6] =	sst s0;
	s0 =	simm.s32 @!p1 $0x0  }
0x14: {  	s2 =	sld [smem:$0x3F9A];
	s0 =	simm.s32 @p1 $0x1  }
0x15: {  	[smem:$0x3FB7] =	sst s0;
	s0 =	simm.s32 @!p2 $0x0  }
0x16: {  	s3 =	sld [smem:$0x3FDB];
	s0 =	simm.s32 @p2 $0x1  }
0x17: {  	s4 =	simm.s32 $0x1BF5;
	[smem:$0x3FB9] =	sst s0  }
0x18: {  	s0 =	sld [smem:$0x3F9C];
	_ =	swait.ge [sflag:s4], $0x0  }
0x19: {  	s7 =	sld [smem:$0x3F9D]  }
0x1a: {  	s8 =	sadd.s32 $0xFFFFE003, lr  }
0x1b: {  	s9 =	sadd.s32 $0xFFFFFEF7, lr;
	s5 =	simm.s32 $0xFFFFFFFF;
	p2 =	slt.u32 s8, $0xFFFFF086  }
0x1c: {  	p1 =	slt.u32 s9, $0xF7A;
	s5 =	simm.s32 @!p2 $0x0  }
0x1d: {  	s5 =	simm.s32 @p1 $0x1;
	p0 =	seq.s32 s7, s2  }
0x1e: {  	s7 =	smul.u32 @!p0 $0xF7A, s2;
	p2 =	seq.s32 @!p0 s5, $0x0  }
0x1f: {  	s9 =	smul.u32 $0xF7A, s1;
	s8 =	simm.s32 @!p0 $0x1BF5;
	p2 =	por !p2, p0  }
0x20: {  	[sflag:s8] =	ssyncset.s32 @!p0 $0xFFFFF086;
	s6 =	sadd.s32 @!p0 s3, s7;
	s7 =	simm.s32 @!p0 $0x108  }
0x21: {  	s3 =	sadd.s32 s3, s9;
	s6 =	sadd.s32 @!p0 $0x88, s6;
	s7 =	simm.s32 @p2 $0x1082  }
0x22: {  	[simem:s7], [sflag:s8] =	dma.local @!p0 [hbm:s6], $0xF7A  }
0x23: {  	s9 =	sor.u32 $0xD0000000, s2;
	s6 =	simm.s32 $0x108;
	_ =	swait.ge @!p0 [sflag:s8], $0x0  }
0x24: {  	s3 =	sadd.s32 $0x88, s3;
	s6 =	simm.s32 @!p1 $0x1082;
	[sflag:s4] =	ssyncset.s32 $0xFFFFF086  }
0x25: {  	[simem:s6], [sflag:s4] =	dma.local [hbm:s3], $0xF7A  }
0x26: {  	[smem:$0x3F9D] =	sst s1;
	(tag) =	ssettag s2;
	_ =	strace s9  }
0x27: {  	s1 =	sld [smem:$0x3FAD]  }
0x28: {  	s2 =	sld [smem:$0x3FAE]  }
0x29: {  	s4 =	sld [smem:$0x3FB0]  }
0x2a: {  	p0 =	seq.s32 s5, $0x0;
	s5 =	sld [smem:$0x3FB1]  }
0x2b: {  	s6 =	sld [smem:$0x3FB2]  }
0x2c: {  	s7 =	sld [smem:$0x3FB3]  }
0x2d: {  	s3 =	simm.s32 $0x108;
	s8 =	sld [smem:$0x3FB4]  }
0x2e: {  	s3 =	simm.s32 @!p0 $0x1082;
	s9 =	sld [smem:$0x3FB5]  }
0x2f: {  	lr =	sadd.s32 s0, s3;
	s0 =	sld [smem:$0x3FAC]  }
0x30: {  	s3 =	sld [smem:$0x3FAF]  }
0x31: {  	[smem:$0x3FB8] =	sst s10  }
0x32: {  	s10 =	sld [smem:$0x3FB6];
	_ =	sdelay $0x3  }
0x33: {  	p0 =	seq.s32 s10, $0x1;
	s10 =	sld [smem:$0x3FB8];
	_ =	sdelay $0x3  }
0x34: {  	[smem:$0x3FB8] =	sst s10  }
0x35: {  	s10 =	sld [smem:$0x3FB7];
	_ =	sdelay $0x3  }
0x36: {  	p1 =	seq.s32 s10, $0x1;
	s10 =	sld [smem:$0x3FB8];
	_ =	sdelay $0x3  }
0x37: {  	[smem:$0x3FB8] =	sst s10  }
0x38: {  	s10 =	sld [smem:$0x3FB9]  }
0x39: {  	_ = 	snop;
	(pc) =	sbr.ind lr, $3  }
0x3a: {  	_ = 	snop  }
0x3b: {  	_ = 	snop  }
0x3c: {  	p2 =	seq.s32 s10, $0x1;
	s10 =	sld [smem:$0x3FB8]  }
0x3d: {  	_ =	shalt  }
0x3e: {  	_ =	shalt  }
0x3f: {  	_ =	shalt  }
0x40: {  	_ =	shalt  }
0x41: {  	_ =	shalt  }
0x42: {  	_ =	shalt  }
0x43: {  	_ =	shalt  }
0x44: {  	_ =	shalt  }
0x45: {  	_ =	shalt  }
0x46: {  	_ =	shalt  }
0x47: {  	_ =	shalt  }
0x48: {  	_ =	shalt  }
0x49: {  	_ =	shalt  }
0x4a: {  	_ =	shalt  }
0x4b: {  	_ =	shalt  }
0x4c: {  	_ =	shalt  }
0x4d: {  	_ =	shalt  }
0x4e: {  	_ =	shalt  }
0x4f: {  	_ =	shalt  }
0x50: {  	_ =	shalt  }
0x51: {  	_ =	shalt  }
0x52: {  	_ =	shalt  }
0x53: {  	_ =	shalt  }
0x54: {  	_ =	shalt  }
0x55: {  	_ =	shalt  }
0x56: {  	_ =	shalt  }
0x57: {  	_ =	shalt  }
0x58: {  	_ =	shalt  }
0x59: {  	_ =	shalt  }
0x5a: {  	_ =	shalt  }
0x5b: {  	_ =	shalt  }
0x5c: {  	_ =	shalt  }
0x5d: {  	_ =	shalt  }
0x5e: {  	_ =	shalt  }
0x5f: {  	_ =	shalt  }
0x60: {  	_ =	shalt  }
0x61: {  	_ =	shalt  }
0x62: {  	_ =	shalt  }
0x63: {  	_ =	shalt  }
0x64: {  	_ =	shalt  }
0x65: {  	_ =	shalt  }
0x66: {  	_ =	shalt  }
0x67: {  	_ =	shalt  }
0x68: {  	_ =	shalt  }
0x69: {  	_ =	shalt  }
0x6a: {  	_ =	shalt  }
0x6b: {  	_ =	shalt  }
0x6c: {  	_ =	shalt  }
0x6d: {  	_ =	shalt  }
0x6e: {  	_ =	shalt  }
0x6f: {  	_ =	shalt  }
0x70: {  	_ =	shalt  }
0x71: {  	_ =	shalt  }
0x72: {  	_ =	shalt  }
0x73: {  	_ =	shalt  }
0x74: {  	_ =	shalt  }
0x75: {  	_ =	shalt  }
0x76: {  	_ =	shalt  }
0x77: {  	_ =	shalt  }
0x78: {  	_ =	shalt  }
0x79: {  	_ =	shalt  }
0x7a: {  	_ =	shalt  }
0x7b: {  	_ =	shalt  }
0x7c: {  	_ =	shalt  }
0x7d: {  	_ =	shalt  }
0x7e: {  	_ =	shalt  }
0x7f: {  	_ =	shalt  }
0x80: {  	_ =	shalt  }
0x81: {  	_ =	shalt  }
0x82: {  	_ =	shalt  }
0x83: {  	_ =	shalt  }
0x84: {  	_ =	shalt  }
0x85: {  	_ =	shalt  }
0x86: {  	_ =	shalt  }
0x87: {  	_ =	shalt  }
.Lfunc_end0:
.L_simem_size_0:
called_computation_lowered:
.L_overlay_start_0:
0x88: {  	s2 =	sld [smem:$0x3FD9]  }
0x89: {  	s3 =	sld [smem:$0x3FFE];
	_ =	sdelay $0x1  }
0x8a: {  	s1 =	srdreg.scid  }
0x8b: {  	s0 =	sand.u32 $0x1, s1  }
0x8c: {  	s14 =	sshll.u32 s0, $0xA;
	s2 =	sadd.s32 s3, s2  }
0x8d: {  	s2 =	sadd.s32 s2, s14  }
0x8e: {  	[smem:$0x3FC4] =	sst s2  }
0x8f: {  	_ = 	snop  }
0x90: {  	s2 =	sld [smem:$0x3FD0];
	_ =	sdelay $0x2  }
0x91: {  	s4 =	simm.s32 $0xA;
	s5 =	simm.s32 $0x10;
	s15 =	sld [smem:$0x3FC9]  }
0x92: {  	[smem:s5], [sflag:s4] =	dma.local [hbm:s2], $0x1  }
0x93: {  	_ =	swait.eq [sflag:s4], $0x1  }
0x94: {  	[sflag:s4] =	ssyncset.done $0x0  }
0x95: {  	[sflag:s4] =	ssyncadd.s32 $0xFFFFFFFF  }
0x96: {  	s16 =	sld [smem:$0x10];
	(tm) =	ssettm $0x1  }
0x97: {  	s17 =	sld [smem:$0x3FFB];
	_ =	sdelay $0x3  }
0x98: {  	_ =	strace s17  }
0x99: {  	s4 =	sld [smem:$0x3FFC];
	_ =	sdelay $0x3  }
0x9a: {  	_ =	strace s4  }
0x9b: {  	s4 =	sld [smem:$0x3FFD];
	_ =	sdelay $0x3  }
0x9c: {  	_ =	strace s4  }
0x9d: {  	_ =	strace $0x8FFFFFFF  }
0x9e: {  	s18 =	sld [smem:$0x3FDB];
	_ =	sdelay $0x1  }
0x9f: {  	s19 =	simm.s32 $_scs_section_size  }
0xa0: {  	s6 =	simm.s32 $_size__tile_overlayer_lowered;
	s7 =	simm.s32 $_tile_overlayer_lowered  }
0xa1: {  	s22 =	simm.s32 $0x1BFF;
	s21 =	sshll.u32 s7, $0x1;
	s4 =	sadd.s32 s19, s18  }
0xa2: {  	s8 =	simm.s32 $0x0;
	s20 =	sshll.u32 s6, $0x1;
	s6 =	sadd.s32 s21, s4  }
0xa3: {  	[timem:s8], [sflag:s22] =	dma.local [hbm:s6], s20  }
0xa4: {  	_ =	swait.ge [sflag:s22], s20  }
0xa5: {  	s5 =	ssub.s32 $0x0, s20;
	[sflag:s22] =	ssyncset.done $0x0  }
0xa6: {  	[sflag:s22] =	ssyncadd.s32 s5;
	_ =	sdelay $0x1  }
0xa7: {  	s23 =	simm.s32 $0x1B8B  }
0xa8: {  	_ =	swait.ge [sflag:s23], $0x1  }
0xa9: {  	[sflag:s23] =	ssyncset.done $0x0  }
0xaa: {  	s25 =	simm.s32 $0x1B8E;
	s24 =	sld [smem:$0x3FFE];
	[sflag:s23] =	ssyncadd.s32 $0xFFFFFFFF  }
0xab: {  	s26 =	simm.s32 $execute0_lowered;
	[smem:$0x3FD2] =	sst s25  }
0xac: {  	s6 =	sshll.u32 s26, $0x1;
	_ =	strace $0x80000046;
	[dreg:$0x1] =	wrdreg $0xFFFFFFFF  }
0xad: {  	s28 =	simm.s32 $_size_execute0_lowered;
	s4 =	sadd.s32 s4, s6;
	[dreg:$0x0] =	wrdreg $0x0  }
0xae: {  	s6 =	sshll.u32 s28, $0x1;
	[dreg:$0x2] =	wrdreg s4  }
0xaf: {  	[dreg:$0x3] =	wrdreg s6  }
0xb0: {  	[dreg:$0x4] =	wrdreg $0xC0  }
0xb1: {  	_ =	task [dreg:s8], $0x5FFFF  }
0xb2: {  	[dreg:$0x1] =	wrdreg $0xFFFFFFFF  }
0xb3: {  	[dreg:$0x0] =	wrdreg $0x60  }
0xb4: {  	[dreg:$0x2] =	wrdreg s16  }
0xb5: {  	[dreg:$0x3] =	wrdreg s15  }
0xb6: {  	[dreg:$0x4] =	wrdreg s24  }
0xb7: {  	[dreg:$0x5] =	wrdreg $0x9  }
0xb8: {  	_ =	task.clear_ibuf [dreg:s8], $0x6FFFF;
	_ =	strace $0x90000046  }
0xb9: {  	s29 =	simm.s32 $0x9;
	_ =	strace $0x80000048  }
0xba: {  	_ =	swait.ge [sflag:s29], $0x1  }
0xbb: {  	[sflag:s29] =	ssyncadd.s32 $0xFFFFFFFF  }
0xbc: {  	_ =	strace $0x90000048  }
0xbd: {  	_ =	sfence  }
0xbe: {  	s30 =	sld [smem:$0x0];
	_ =	sdelay $0x2  }
0xbf: {  	s31 =	sshll.u32 s1, $0xD;
	s1 =	sshrl.u32 s1, $0x2  }
0xc0: {  	s3 =	sand.u32 $0x4000, s31;
	s1 =	sadd.s32 s1, s30  }
0xc1: {  	s0 =	sor.u32 s3, s0;
	s1 =	sshll.u32 s1, $0x11  }
0xc2: {  	s0 =	sor.u32 s1, s0  }
0xc3: {  	s0 =	sadd.s32 $0x8F2B, s0  }
0xc4: {  	[sflag:s0] =	ssyncadd.remote.s32 $0x1  }
0xc5: {  	_ =	sfence.sel $0xFFFF  }
0xc6: {  	[dreg:$0x0] =	wrdreg $0xFFFFFFFF;
	(pc) =	sbr.abs _section_cstart, $3  }
0xc7: {  	[dreg:$0x1] =	wrdreg $0xFFFFFFFF  }
0xc8: {  	_ =	task.clear_ibuf [dreg:s8], $0x2FFFF;
	_ =	strace $0x9FFFFFFF  }
0xc9: {  	(tm) =	ssettm $0x7FFFFFFF  }
tec
execute0_lowered:
.L_overlay_start_1:
0x0: {  	(tag) =	ssettag $0x1  }
0x1: {  	s4 =	rddreg [dreg:$0x0]  }
0x2: {  	s2 =	rddreg [dreg:$0x1]  }
0x3: {  	s6 =	rddreg [dreg:$0x2];
	s3 =	simm.s32 $0x0  }
0x4: {  	s9 =	simm.s32 $0x900;
	[smem:$0x7FF] =	sst s3  }
0x5: {  	s10 =	simm.s32 $0x1100;
	_ =	strace $0x80000047;
	[dreg:$0x7] =	wrdreg s9  }
0x6: {  	s11 =	simm.s32 $0x1900;
	[dreg:$0x8] =	wrdreg s10  }
0x7: {  	s12 =	simm.s32 $0x2100;
	[dreg:$0x9] =	wrdreg s11  }
0x8: {  	s13 =	simm.s32 $0x2900;
	[dreg:$0xa] =	wrdreg s12  }
0x9: {  	s14 =	simm.s32 $0x3100;
	[dreg:$0xb] =	wrdreg s13  }
0xa: {  	s15 =	simm.s32 $0x3900;
	[dreg:$0xc] =	wrdreg s14  }
0xb: {  	s16 =	simm.s32 $0x4100;
	[dreg:$0xd] =	wrdreg s15  }
0xc: {  	s17 =	simm.s32 $0x4900;
	[dreg:$0xe] =	wrdreg s16  }
0xd: {  	s18 =	simm.s32 $0x5100;
	[dreg:$0xf] =	wrdreg s17  }
0xe: {  	s19 =	simm.s32 $0x5900;
	[dreg:$0x10] =	wrdreg s18  }
0xf: {  	s20 =	simm.s32 $0x6100;
	[dreg:$0x11] =	wrdreg s19  }
0x10: {  	s21 =	simm.s32 $0x6900;
	[dreg:$0x12] =	wrdreg s20  }
0x11: {  	s22 =	simm.s32 $0x7100;
	[dreg:$0x13] =	wrdreg s21  }
0x12: {  	s23 =	simm.s32 $0x7900;
	[dreg:$0x14] =	wrdreg s22  }
0x13: {  	s0 =	stileid.u32;
	s24 =	simm.s32 $0x8100;
	[dreg:$0x15] =	wrdreg s23  }
0x14: {  	s25 =	simm.s32 $0x8900;
	s26 =	simm.s32 $0x9100;
	[dreg:$0x16] =	wrdreg s24  }
0x15: {  	s5 =	smul.u32 $0x3C000, s0;
	s0 =	sshll.u32 s0, $0x5;
	[dreg:$0x17] =	wrdreg s25  }
0x16: {  	s4 =	sadd.s32 s4, s0;
	[dreg:$0x18] =	wrdreg s26;
	s0 =	simm.s32 $0x9900  }
0x17: {  	s9 =	simm.s32 $0xC100;
	[dreg:$0x19] =	wrdreg s0  }
0x18: {  	s10 =	simm.s32 $0xC900;
	[dreg:$0x1e] =	wrdreg s9  }
0x19: {  	s11 =	simm.s32 $0xD100;
	[dreg:$0x1f] =	wrdreg s10  }
0x1a: {  	s12 =	simm.s32 $0xD900;
	[smem:$0x7EF] =	sst s11  }
0x1b: {  	s13 =	simm.s32 $0xE100;
	[smem:$0x7F0] =	sst s12  }
0x1c: {  	s14 =	simm.s32 $0xE900;
	[smem:$0x7F1] =	sst s13  }
0x1d: {  	s15 =	simm.s32 $0xF900;
	[smem:$0x7F2] =	sst s14  }
0x1e: {  	s1 =	srdreg.scid;
	s16 =	simm.s32 $0x10100;
	[smem:$0x7F3] =	sst s15  }
0x1f: {  	s28 =	simm.s32 $0x1D900;
	s17 =	simm.s32 $0x10900;
	[smem:$0x7F4] =	sst s16  }
0x20: {  	s29 =	simm.s32 $0x1;
	s18 =	simm.s32 $0x11100;
	[smem:$0x7F5] =	sst s17  }
0x21: {  	s30 =	simm.s32 $0x2;
	s20 =	simm.s32 $0x11900;
	[smem:$0x7F6] =	sst s18  }
0x22: {  	s31 =	simm.s32 $0x3;
	s21 =	simm.s32 $0x12100;
	[smem:$0x7F7] =	sst s20  }
0x23: {  	s1 =	sand.u32 $0x1, s1;
	s22 =	simm.s32 $0x12900;
	[smem:$0x7F8] =	sst s21  }
0x24: {  	s7 =	smul.u32 $0x1E000, s1;
	s23 =	simm.s32 $0x13100;
	[smem:$0x7F9] =	sst s22  }
0x25: {  	s8 =	sshll.u32 s1, $0x9;
	s24 =	simm.s32 $0x13900;
	[smem:$0x7FA] =	sst s23  }
0x26: {  	s1 =	ssub.s32 $0x2, s1;
	s25 =	simm.s32 $0x14100;
	[smem:$0x7FB] =	sst s24  }
0x27: {  	s26 =	simm.s32 $0x14900;
	s4 =	sadd.s32 s8, s4;
	[smem:$0x7FC] =	sst s25  }
0x28: {  	s19 =	sshrl.u32 s1, $0x1;
	s9 =	simm.s32 $0xF100;
	[smem:$0x7FD] =	sst s26  }
0x29: {  	s11 =	simm.s32 $0x15900;
	s12 =	simm.s32 $0x16100;
	s13 =	simm.s32 $0x16900  }
0x2a: {  	s14 =	simm.s32 $0x17100;
	s15 =	simm.s32 $0x17900;
	s16 =	simm.s32 $0x18100  }
0x2b: {  	s17 =	simm.s32 $0x18900;
	s18 =	simm.s32 $0x19100;
	s20 =	simm.s32 $0x1A100  }
0x2c: {  	s21 =	simm.s32 $0x1A900;
	s22 =	simm.s32 $0x1B100;
	s23 =	simm.s32 $0x1B900  }
0x2d: {  	s24 =	simm.s32 $0x1C100;
	s25 =	simm.s32 $0x1C900;
	s5 =	sadd.s32 s7, s5  }
0x2e: {  	s26 =	simm.s32 $0x1D100;
	[dreg:$0x4] =	wrdreg s4;
	s5 =	sshrl.u32 s5, $0x3  }
0x2f: {  	s1 =	ssub.s32 s1, s19;
	s5 =	sadd.s32 s5, s6;
	s6 =	simm.s32 $0xA900  }
0x30: {  	s4 =	sadd.s32 $0x100, s2;
	s7 =	sadd.s32 $0x800, s5;
	[dreg:$0x1b] =	wrdreg s6  }
0x31: {  	s19 =	simm.s32 $0x19900;
	s8 =	sadd.s32 $0x2600, s5;
	[dreg:$0x5] =	wrdreg s7  }
0x32: {  	s5 =	simm.s32 $0xA100;
	s6 =	smax.u32 s1, $0x1;
	[dreg:$0x6] =	wrdreg s8  }
0x33: {  	v2 =	vlaneseq.u32;
	s1 =	simm.s32 $0x4;
	[dreg:$0x1a] =	wrdreg s5;
	s7 =	simm.s32 $0xB100  }
0x34: {  	vm0 =	vmmov $0xffff;
	v1 =	vshrl.u32 v2, $0x3;
	s8 =	simm.s32 $0xB900;
	s5 =	sadd.s32 $0x200, s2;
	[dreg:$0x1c] =	wrdreg s7  }
0x35: {  	v0 =	vand.u32 $0x7, v2;
	v2 =	vor.u32 $0x8, v2;
	v1 =	vmul.u32 $0x8, v1;
	[dreg:$0x1d] =	wrdreg s8;
	s7 =	simm.s32 $0x5;
	s8 =	simm.s32 $0x100  }
.LBB2_1:
0x36: {  	s0 =	rddreg [dreg:$0x4]  }
0x37: {  	[tilespmem:s3], [sflag:$0x5] =	stream.linear.gather [hbm4b:s0+s3], $0x100, $0x38;
	[tilespmem:$0x1E100] =	vst v63  }
0x38: {  	_ =	swait.ge [sflag:s7], $0x100  }
0x39: {  	[sflag:s7] =	ssyncset.done $0x0  }
0x3a: {  	[sflag:s7] =	ssyncadd.s32 $0xFFFFFF00  }
0x3b: {  	v3 =	vld [tilespmem:$0x0];
	_ =	sdelay $0x4  }
0x3c: {  	v4 =	vshrl.u32 v3, $0x3  }
0x3d: {  	v4 =	vmul.u32 $0x30, v4  }
0x3e: {  	v3 =	vand.u32 $0x7, v3  }
0x3f: {  	v3 =	vor.u32 v3, v4  }
0x40: {  	v4 =	vperm.xlane v3, v0;
	_ =	sdelay $0x1  }
0x41: {  	v4 =	vadd.s32 v1, v4;
	_ =	sdelay $0x3  }
0x42: {  	v3 =	vperm.xlane v3, v2  }
0x43: {  	[tilespmem:s8], [sflag:$0x1] =	stream.indirect_vreg.gather [hbm4b:s2+s3], $0x80, v4, vm0, $0xb8;
	[tilespmem:$0x1E100] =	vst v63  }
0x44: {  	s0 =	rddreg [dreg:$0x7];
	v3 =	vadd.s32 v1, v3  }
0x45: {  	[tilespmem:s0], [sflag:$0x1] =	stream.indirect_vreg.gather [hbm4b:s4+s3], $0x80, v4, vm0, $0xb8;
	[tilespmem:$0x1E100] =	vst v63  }
0x46: {  	s10 =	rddreg [dreg:$0x8]  }
0x47: {  	[tilespmem:s10], [sflag:$0x1] =	stream.indirect_vreg.gather [hbm4b:s5+s3], $0x80, v4, vm0, $0xb8;
	[tilespmem:$0x1E100] =	vst v63  }
0x48: {  	s0 =	rddreg [dreg:$0x9]  }
0x49: {  	[tilespmem:s0], [sflag:$0x1] =	stream.indirect_vreg.gather [hbm4b:s2+s3], $0x80, v3, vm0, $0xb8;
	[tilespmem:$0x1E100] =	vst v63  }
0x4a: {  	s10 =	rddreg [dreg:$0xa]  }
0x4b: {  	[tilespmem:s10], [sflag:$0x1] =	stream.indirect_vreg.gather [hbm4b:s4+s3], $0x80, v3, vm0, $0xb8;
	[tilespmem:$0x1E100] =	vst v63  }
0x4c: {  	s0 =	rddreg [dreg:$0xb]  }
0x4d: {  	[tilespmem:s0], [sflag:$0x1] =	stream.indirect_vreg.gather [hbm4b:s5+s3], $0x80, v3, vm0, $0xb8;
	[tilespmem:$0x1E100] =	vst v63  }
0x4e: {  	v3 =	vld [tilespmem:$0x10];
	_ =	sdelay $0x4  }
0x4f: {  	v55 =	vshrl.u32 v3, $0x3  }
0x50: {  	v4 =	vmul.u32 $0x30, v55  }
0x51: {  	v3 =	vand.u32 $0x7, v3  }
0x52: {  	v3 =	vor.u32 v3, v4  }
0x53: {  	v4 =	vperm.xlane v3, v0;
	_ =	sdelay $0x1  }
0x54: {  	v4 =	vadd.s32 v1, v4;
	_ =	sdelay $0x3  }
0x55: {  	s0 =	rddreg [dreg:$0xc];
	v3 =	vperm.xlane v3, v2  }
0x56: {  	[tilespmem:s0], [sflag:$0x1] =	stream.indirect_vreg.gather [hbm4b:s2+s3], $0x80, v4, vm0, $0xb8;
	[tilespmem:$0x1E100] =	vst v63  }
0x57: {  	s10 =	rddreg [dreg:$0xd];
	v3 =	vadd.s32 v1, v3  }
0x58: {  	[tilespmem:s10], [sflag:$0x1] =	stream.indirect_vreg.gather [hbm4b:s4+s3], $0x80, v4, vm0, $0xb8;
	[tilespmem:$0x1E100] =	vst v63  }
0x59: {  	s0 =	rddreg [dreg:$0xe]  }
0x5a: {  	[tilespmem:s0], [sflag:$0x1] =	stream.indirect_vreg.gather [hbm4b:s5+s3], $0x80, v4, vm0, $0xb8;
	[tilespmem:$0x1E100] =	vst v63  }
0x5b: {  	s10 =	rddreg [dreg:$0xf]  }
0x5c: {  	[tilespmem:s10], [sflag:$0x1] =	stream.indirect_vreg.gather [hbm4b:s2+s3], $0x80, v3, vm0, $0xb8;
	[tilespmem:$0x1E100] =	vst v63  }
0x5d: {  	s0 =	rddreg [dreg:$0x10]  }
0x5e: {  	[tilespmem:s0], [sflag:$0x1] =	stream.indirect_vreg.gather [hbm4b:s4+s3], $0x80, v3, vm0, $0xb8;
	[tilespmem:$0x1E100] =	vst v63  }
0x5f: {  	s10 =	rddreg [dreg:$0x11]  }
0x60: {  	[tilespmem:s10], [sflag:$0x1] =	stream.indirect_vreg.gather [hbm4b:s5+s3], $0x80, v3, vm0, $0xb8;
	[tilespmem:$0x1E100] =	vst v63  }
0x61: {  	v3 =	vld [tilespmem:$0x20];
	_ =	sdelay $0x4  }
0x62: {  	v56 =	vshrl.u32 v3, $0x3  }
0x63: {  	v4 =	vmul.u32 $0x30, v56  }
0x64: {  	v3 =	vand.u32 $0x7, v3  }
0x65: {  	v3 =	vor.u32 v3, v4  }
0x66: {  	v4 =	vperm.xlane v3, v0;
	_ =	sdelay $0x1  }
0x67: {  	v4 =	vadd.s32 v1, v4;
	_ =	sdelay $0x3  }
0x68: {  	s0 =	rddreg [dreg:$0x12];
	v3 =	vperm.xlane v3, v2  }
0x69: {  	[tilespmem:s0], [sflag:$0x1] =	stream.indirect_vreg.gather [hbm4b:s2+s3], $0x80, v4, vm0, $0xb8;
	[tilespmem:$0x1E100] =	vst v63  }
0x6a: {  	s10 =	rddreg [dreg:$0x13];
	v3 =	vadd.s32 v1, v3  }
0x6b: {  	[tilespmem:s10], [sflag:$0x1] =	stream.indirect_vreg.gather [hbm4b:s4+s3], $0x80, v4, vm0, $0xb8;
	[tilespmem:$0x1E100] =	vst v63  }
0x6c: {  	s0 =	rddreg [dreg:$0x14]  }
0x6d: {  	[tilespmem:s0], [sflag:$0x1] =	stream.indirect_vreg.gather [hbm4b:s5+s3], $0x80, v4, vm0, $0xb8;
	[tilespmem:$0x1E100] =	vst v63  }
0x6e: {  	s10 =	rddreg [dreg:$0x15]  }
0x6f: {  	[tilespmem:s10], [sflag:$0x1] =	stream.indirect_vreg.gather [hbm4b:s2+s3], $0x80, v3, vm0, $0xb8;
	[tilespmem:$0x1E100] =	vst v63  }
0x70: {  	s0 =	rddreg [dreg:$0x16]  }
0x71: {  	[tilespmem:s0], [sflag:$0x1] =	stream.indirect_vreg.gather [hbm4b:s4+s3], $0x80, v3, vm0, $0xb8;
	[tilespmem:$0x1E100] =	vst v63  }
0x72: {  	s10 =	rddreg [dreg:$0x17]  }
0x73: {  	[tilespmem:s10], [sflag:$0x1] =	stream.indirect_vreg.gather [hbm4b:s5+s3], $0x80, v3, vm0, $0xb8;
	[tilespmem:$0x1E100] =	vst v63  }
0x74: {  	v3 =	vld [tilespmem:$0x30];
	_ =	sdelay $0x4  }
0x75: {  	v57 =	vshrl.u32 v3, $0x3  }
0x76: {  	v4 =	vmul.u32 $0x30, v57  }
0x77: {  	v3 =	vand.u32 $0x7, v3  }
0x78: {  	v3 =	vor.u32 v3, v4  }
0x79: {  	v4 =	vperm.xlane v3, v0;
	_ =	sdelay $0x1  }
0x7a: {  	v4 =	vadd.s32 v1, v4;
	_ =	sdelay $0x3  }
0x7b: {  	s0 =	rddreg [dreg:$0x18];
	v3 =	vperm.xlane v3, v2  }
0x7c: {  	[tilespmem:s0], [sflag:$0x1] =	stream.indirect_vreg.gather [hbm4b:s2+s3], $0x80, v4, vm0, $0xb8;
	[tilespmem:$0x1E100] =	vst v63  }
0x7d: {  	s10 =	rddreg [dreg:$0x19];
	v3 =	vadd.s32 v1, v3  }
0x7e: {  	[tilespmem:s10], [sflag:$0x1] =	stream.indirect_vreg.gather [hbm4b:s4+s3], $0x80, v4, vm0, $0xb8;
	[tilespmem:$0x1E100] =	vst v63  }
0x7f: {  	s0 =	rddreg [dreg:$0x1a]  }
0x80: {  	[tilespmem:s0], [sflag:$0x1] =	stream.indirect_vreg.gather [hbm4b:s5+s3], $0x80, v4, vm0, $0xb8;
	[tilespmem:$0x1E100] =	vst v63  }
0x81: {  	s10 =	rddreg [dreg:$0x1b]  }
0x82: {  	[tilespmem:s10], [sflag:$0x1] =	stream.indirect_vreg.gather [hbm4b:s2+s3], $0x80, v3, vm0, $0xb8;
	[tilespmem:$0x1E100] =	vst v63  }
0x83: {  	s0 =	rddreg [dreg:$0x1c]  }
0x84: {  	[tilespmem:s0], [sflag:$0x1] =	stream.indirect_vreg.gather [hbm4b:s4+s3], $0x80, v3, vm0, $0xb8;
	[tilespmem:$0x1E100] =	vst v63  }
0x85: {  	s10 =	rddreg [dreg:$0x1d]  }
0x86: {  	[tilespmem:s10], [sflag:$0x1] =	stream.indirect_vreg.gather [hbm4b:s5+s3], $0x80, v3, vm0, $0xb8;
	[tilespmem:$0x1E100] =	vst v63  }
0x87: {  	v3 =	vld [tilespmem:$0x40];
	_ =	sdelay $0x4  }
0x88: {  	v58 =	vshrl.u32 v3, $0x3  }
0x89: {  	v4 =	vmul.u32 $0x30, v58  }
0x8a: {  	v3 =	vand.u32 $0x7, v3  }
0x8b: {  	v3 =	vor.u32 v3, v4  }
0x8c: {  	v4 =	vperm.xlane v3, v0;
	_ =	sdelay $0x1  }
0x8d: {  	v4 =	vadd.s32 v1, v4;
	_ =	sdelay $0x2  }
0x8e: {  	s0 =	rddreg [dreg:$0x1e]  }
0x8f: {  	s10 =	rddreg [dreg:$0x1f];
	v3 =	vperm.xlane v3, v2  }
0x90: {  	[tilespmem:s0], [sflag:$0x1] =	stream.indirect_vreg.gather [hbm4b:s2+s3], $0x80, v4, vm0, $0xb8;
	[tilespmem:$0x1E100] =	vst v63  }
0x91: {  	v3 =	vadd.s32 v1, v3;
	s0 =	sld [smem:$0x7EF]  }
0x92: {  	[tilespmem:s10], [sflag:$0x1] =	stream.indirect_vreg.gather [hbm4b:s4+s3], $0x80, v4, vm0, $0xb8;
	[tilespmem:$0x1E100] =	vst v63  }
0x93: {  	s10 =	sld [smem:$0x7F0]  }
0x94: {  	[tilespmem:s0], [sflag:$0x1] =	stream.indirect_vreg.gather [hbm4b:s5+s3], $0x80, v4, vm0, $0xb8;
	[tilespmem:$0x1E100] =	vst v63  }
0x95: {  	s0 =	sld [smem:$0x7F1]  }
0x96: {  	[tilespmem:s10], [sflag:$0x1] =	stream.indirect_vreg.gather [hbm4b:s2+s3], $0x80, v3, vm0, $0xb8;
	[tilespmem:$0x1E100] =	vst v63  }
0x97: {  	s10 =	sld [smem:$0x7F2]  }
0x98: {  	[tilespmem:s0], [sflag:$0x1] =	stream.indirect_vreg.gather [hbm4b:s4+s3], $0x80, v3, vm0, $0xb8;
	[tilespmem:$0x1E100] =	vst v63  }
0x99: {  	_ = 	snop  }
0x9a: {  	[tilespmem:s10], [sflag:$0x1] =	stream.indirect_vreg.gather [hbm4b:s5+s3], $0x80, v3, vm0, $0xb8;
	[tilespmem:$0x1E100] =	vst v63  }
0x9b: {  	v3 =	vld [tilespmem:$0x80];
	_ =	sdelay $0x4  }
0x9c: {  	v59 =	vshrl.u32 v3, $0x3  }
0x9d: {  	v4 =	vmul.u32 $0x30, v59  }
0x9e: {  	v3 =	vand.u32 $0x7, v3  }
0x9f: {  	v3 =	vor.u32 v3, v4  }
0xa0: {  	v4 =	vperm.xlane v3, v0;
	_ =	sdelay $0x1  }
0xa1: {  	v4 =	vadd.s32 v1, v4;
	_ =	sdelay $0x3  }
0xa2: {  	s0 =	sld [smem:$0x7F3];
	v3 =	vperm.xlane v3, v2  }
0xa3: {  	[tilespmem:s9], [sflag:$0x2] =	stream.indirect_vreg.gather [hbm4b:s2+s3], $0x80, v4, vm0, $0xb8;
	[tilespmem:$0x1E100] =	vst v63  }
0xa4: {  	s10 =	sld [smem:$0x7F4];
	v3 =	vadd.s32 v1, v3  }
0xa5: {  	[tilespmem:s0], [sflag:$0x2] =	stream.indirect_vreg.gather [hbm4b:s4+s3], $0x80, v4, vm0, $0xb8;
	[tilespmem:$0x1E100] =	vst v63  }
0xa6: {  	s0 =	sld [smem:$0x7F5]  }
0xa7: {  	[tilespmem:s10], [sflag:$0x2] =	stream.indirect_vreg.gather [hbm4b:s5+s3], $0x80, v4, vm0, $0xb8;
	[tilespmem:$0x1E100] =	vst v63  }
0xa8: {  	s10 =	sld [smem:$0x7F6]  }
0xa9: {  	[tilespmem:s0], [sflag:$0x2] =	stream.indirect_vreg.gather [hbm4b:s2+s3], $0x80, v3, vm0, $0xb8;
	[tilespmem:$0x1E100] =	vst v63  }
0xaa: {  	s0 =	sld [smem:$0x7F7]  }
0xab: {  	[tilespmem:s10], [sflag:$0x2] =	stream.indirect_vreg.gather [hbm4b:s4+s3], $0x80, v3, vm0, $0xb8;
	[tilespmem:$0x1E100] =	vst v63  }
0xac: {  	_ = 	snop  }
0xad: {  	[tilespmem:s0], [sflag:$0x2] =	stream.indirect_vreg.gather [hbm4b:s5+s3], $0x80, v3, vm0, $0xb8;
	[tilespmem:$0x1E100] =	vst v63  }
0xae: {  	v3 =	vld [tilespmem:$0x90];
	_ =	sdelay $0x4  }
0xaf: {  	v60 =	vshrl.u32 v3, $0x3  }
0xb0: {  	v4 =	vmul.u32 $0x30, v60  }
0xb1: {  	v3 =	vand.u32 $0x7, v3  }
0xb2: {  	v3 =	vor.u32 v3, v4  }
0xb3: {  	v4 =	vperm.xlane v3, v0;
	_ =	sdelay $0x1  }
0xb4: {  	v4 =	vadd.s32 v1, v4;
	_ =	sdelay $0x1  }
0xb5: {  	s0 =	sld [smem:$0x7F8];
	_ =	sdelay $0x1  }
0xb6: {  	s10 =	sld [smem:$0x7F9];
	v3 =	vperm.xlane v3, v2  }
0xb7: {  	[tilespmem:s0], [sflag:$0x2] =	stream.indirect_vreg.gather [hbm4b:s2+s3], $0x80, v4, vm0, $0xb8;
	[tilespmem:$0x1E100] =	vst v63  }
0xb8: {  	v3 =	vadd.s32 v1, v3;
	s0 =	sld [smem:$0x7FA]  }
0xb9: {  	[tilespmem:s10], [sflag:$0x2] =	stream.indirect_vreg.gather [hbm4b:s4+s3], $0x80, v4, vm0, $0xb8;
	[tilespmem:$0x1E100] =	vst v63  }
0xba: {  	s10 =	sld [smem:$0x7FB]  }
0xbb: {  	[tilespmem:s0], [sflag:$0x2] =	stream.indirect_vreg.gather [hbm4b:s5+s3], $0x80, v4, vm0, $0xb8;
	[tilespmem:$0x1E100] =	vst v63  }
0xbc: {  	s0 =	sld [smem:$0x7FC]  }
0xbd: {  	[tilespmem:s10], [sflag:$0x2] =	stream.indirect_vreg.gather [hbm4b:s2+s3], $0x80, v3, vm0, $0xb8;
	[tilespmem:$0x1E100] =	vst v63  }
0xbe: {  	s10 =	sld [smem:$0x7FD]  }
0xbf: {  	[tilespmem:s0], [sflag:$0x2] =	stream.indirect_vreg.gather [hbm4b:s4+s3], $0x80, v3, vm0, $0xb8;
	[tilespmem:$0x1E100] =	vst v63  }
0xc0: {  	_ = 	snop  }
0xc1: {  	[tilespmem:s10], [sflag:$0x2] =	stream.indirect_vreg.gather [hbm4b:s5+s3], $0x80, v3, vm0, $0xb8;
	[tilespmem:$0x1E100] =	vst v63  }
0xc2: {  	v3 =	vld [tilespmem:$0xA0];
	_ =	sdelay $0x4  }
0xc3: {  	v61 =	vshrl.u32 v3, $0x3  }
0xc4: {  	v4 =	vmul.u32 $0x30, v61  }
0xc5: {  	v3 =	vand.u32 $0x7, v3  }
0xc6: {  	v3 =	vor.u32 v3, v4  }
0xc7: {  	v4 =	vperm.xlane v3, v0;
	_ =	sdelay $0x1  }
0xc8: {  	v4 =	vadd.s32 v1, v4;
	_ =	sdelay $0x3  }
0xc9: {  	s10 =	simm.s32 $0x15100;
	v3 =	vperm.xlane v3, v2  }
0xca: {  	[tilespmem:s10], [sflag:$0x2] =	stream.indirect_vreg.gather [hbm4b:s2+s3], $0x80, v4, vm0, $0xb8;
	[tilespmem:$0x1E100] =	vst v63  }
0xcb: {  	v3 =	vadd.s32 v1, v3  }
0xcc: {  	[tilespmem:s11], [sflag:$0x2] =	stream.indirect_vreg.gather [hbm4b:s4+s3], $0x80, v4, vm0, $0xb8;
	[tilespmem:$0x1E100] =	vst v63  }
0xcd: {  	_ = 	snop  }
0xce: {  	[tilespmem:s12], [sflag:$0x2] =	stream.indirect_vreg.gather [hbm4b:s5+s3], $0x80, v4, vm0, $0xb8;
	[tilespmem:$0x1E100] =	vst v63  }
0xcf: {  	_ = 	snop  }
0xd0: {  	[tilespmem:s13], [sflag:$0x2] =	stream.indirect_vreg.gather [hbm4b:s2+s3], $0x80, v3, vm0, $0xb8;
	[tilespmem:$0x1E100] =	vst v63  }
0xd1: {  	_ = 	snop  }
0xd2: {  	[tilespmem:s14], [sflag:$0x2] =	stream.indirect_vreg.gather [hbm4b:s4+s3], $0x80, v3, vm0, $0xb8;
	[tilespmem:$0x1E100] =	vst v63  }
0xd3: {  	_ = 	snop  }
0xd4: {  	[tilespmem:s15], [sflag:$0x2] =	stream.indirect_vreg.gather [hbm4b:s5+s3], $0x80, v3, vm0, $0xb8;
	[tilespmem:$0x1E100] =	vst v63  }
0xd5: {  	v3 =	vld [tilespmem:$0xB0];
	_ =	sdelay $0x4  }
0xd6: {  	v62 =	vshrl.u32 v3, $0x3  }
0xd7: {  	v4 =	vmul.u32 $0x30, v62  }
0xd8: {  	v3 =	vand.u32 $0x7, v3  }
0xd9: {  	v3 =	vor.u32 v3, v4  }
0xda: {  	v4 =	vperm.xlane v3, v0;
	_ =	sdelay $0x1  }
0xdb: {  	v4 =	vadd.s32 v1, v4;
	_ =	sdelay $0x3  }
0xdc: {  	v3 =	vperm.xlane v3, v2  }
0xdd: {  	[tilespmem:s16], [sflag:$0x2] =	stream.indirect_vreg.gather [hbm4b:s2+s3], $0x80, v4, vm0, $0xb8;
	[tilespmem:$0x1E100] =	vst v63  }
0xde: {  	v3 =	vadd.s32 v1, v3  }
0xdf: {  	[tilespmem:s17], [sflag:$0x2] =	stream.indirect_vreg.gather [hbm4b:s4+s3], $0x80, v4, vm0, $0xb8;
	[tilespmem:$0x1E100] =	vst v63  }
0xe0: {  	_ = 	snop  }
0xe1: {  	[tilespmem:s18], [sflag:$0x2] =	stream.indirect_vreg.gather [hbm4b:s5+s3], $0x80, v4, vm0, $0xb8;
	[tilespmem:$0x1E100] =	vst v63  }
0xe2: {  	_ = 	snop  }
0xe3: {  	[tilespmem:s19], [sflag:$0x2] =	stream.indirect_vreg.gather [hbm4b:s2+s3], $0x80, v3, vm0, $0xb8;
	[tilespmem:$0x1E100] =	vst v63  }
0xe4: {  	_ = 	snop  }
0xe5: {  	[tilespmem:s20], [sflag:$0x2] =	stream.indirect_vreg.gather [hbm4b:s4+s3], $0x80, v3, vm0, $0xb8;
	[tilespmem:$0x1E100] =	vst v63  }
0xe6: {  	_ = 	snop  }
0xe7: {  	[tilespmem:s21], [sflag:$0x2] =	stream.indirect_vreg.gather [hbm4b:s5+s3], $0x80, v3, vm0, $0xb8;
	[tilespmem:$0x1E100] =	vst v63  }
0xe8: {  	v3 =	vld [tilespmem:$0xC0];
	_ =	sdelay $0x4  }
0xe9: {  	v63 =	vshrl.u32 v3, $0x3  }
0xea: {  	v4 =	vmul.u32 $0x30, v63  }
0xeb: {  	v3 =	vand.u32 $0x7, v3  }
0xec: {  	v3 =	vor.u32 v3, v4  }
0xed: {  	v4 =	vperm.xlane v3, v0;
	_ =	sdelay $0x1  }
0xee: {  	v4 =	vadd.s32 v1, v4;
	_ =	sdelay $0x3  }
0xef: {  	v3 =	vperm.xlane v3, v2  }
0xf0: {  	[tilespmem:s22], [sflag:$0x2] =	stream.indirect_vreg.gather [hbm4b:s2+s3], $0x80, v4, vm0, $0xb8;
	[tilespmem:$0x1E100] =	vst v63  }
0xf1: {  	v3 =	vadd.s32 v1, v3  }
0xf2: {  	[tilespmem:s23], [sflag:$0x2] =	stream.indirect_vreg.gather [hbm4b:s4+s3], $0x80, v4, vm0, $0xb8;
	[tilespmem:$0x1E100] =	vst v63  }
0xf3: {  	_ = 	snop  }
0xf4: {  	[tilespmem:s24], [sflag:$0x2] =	stream.indirect_vreg.gather [hbm4b:s5+s3], $0x80, v4, vm0, $0xb8;
	[tilespmem:$0x1E100] =	vst v63  }
0xf5: {  	_ = 	snop  }
0xf6: {  	[tilespmem:s25], [sflag:$0x2] =	stream.indirect_vreg.gather [hbm4b:s2+s3], $0x80, v3, vm0, $0xb8;
	[tilespmem:$0x1E100] =	vst v63  }
0xf7: {  	_ = 	snop  }
0xf8: {  	[tilespmem:s26], [sflag:$0x2] =	stream.indirect_vreg.gather [hbm4b:s4+s3], $0x80, v3, vm0, $0xb8;
	[tilespmem:$0x1E100] =	vst v63  }
0xf9: {  	_ = 	snop  }
0xfa: {  	[tilespmem:s28], [sflag:$0x2] =	stream.indirect_vreg.gather [hbm4b:s5+s3], $0x80, v3, vm0, $0xb8;
	[tilespmem:$0x1E100] =	vst v63  }
0xfb: {  	_ =	swait.ge [sflag:s29], $0xF000  }
0xfc: {  	[sflag:s29] =	ssyncset.done $0x0  }
0xfd: {  	s10 =	rddreg [dreg:$0x5];
	[sflag:s29] =	ssyncadd.s32 $0xFFFF1000  }
0xfe: {  	[hbm4b:s10+s3] =	stream.linear.scatter [tilespmem:s8], [sflag:$0x3], $0xF000, $0x38;
	[tilespmem:$0x1E100] =	vst v63  }
0xff: {  	_ =	swait.ge [sflag:s30], $0xF000  }
0x100: {  	[sflag:s30] =	ssyncset.done $0x0  }
0x101: {  	s10 =	rddreg [dreg:$0x6];
	[sflag:s30] =	ssyncadd.s32 $0xFFFF1000  }
0x102: {  	[hbm4b:s10+s3] =	stream.linear.scatter [tilespmem:s9], [sflag:$0x4], $0xF000, $0x38;
	[tilespmem:$0x1E100] =	vst v63  }
0x103: {  	p0 =	sne.s32 s6, $0x1;
	_ =	swait.ge [sflag:s31], $0xF000  }
.Ltmp0:
0x104: {  	[sflag:s31] =	ssyncset.done $0x0;
	(pc) =	sbr.rel @p0 .LBB2_1-.Ltmp0, $4  }
0x105: {  	[sflag:s31] =	ssyncadd.s32 $0xFFFF1000  }
0x106: {  	_ =	swait.ge [sflag:s1], $0xF000  }
0x107: {  	[sflag:s1] =	ssyncset.done $0x0  }
0x108: {  	s6 =	sadd.s32 $0xFFFFFFFF, s6;
	[sflag:s1] =	ssyncadd.s32 $0xFFFF1000  }
0x109: {  	_ =	sfence.sel $0x180000  }
0x10a: {  	[bflag:$0x0] =	sbarrier.arrive $0xFFFF  }
0x10b: {  	_ =	strace $0x90000047  }
0x10c: {  	s0 =	stileid.u32;
	[bflag:$0x2] =	sbarrier.arrive $0xFFFF  }
0x10d: {  	p0 =	sne.s32 s0, $0x0;
	s0 =	rddreg [dreg:$0x3]  }
0x10e: {  	s0 =	sadd.s32 @!p0 $0x100000, s0  }
0x10f: {  	[sflag:s0] =	ssyncadd.tile.s32 @!p0 $0x1;
	_ =	shalt  }
.Lfunc_end2:
_tile_overlayer_lowered:
.L_overlay_start_2:
0x110: {  	(tag) =	ssettag $0x2  }
0x111: {  	s0 =	rddreg [dreg:$0x0];
	s2 =	stileid.u32  }
0x112: {  	s1 =	rddreg [dreg:$0x1];
	p0 =	sne.s32 s2, $0x0  }
0x113: {  	s3 =	rddreg [dreg:$0x2];
	[bflag:$0x3] =	sbarrier.arrive $0xFFFF;
	s2 =	simm.s32 @!p0 $0x1C05  }
0x114: {  	[timem:s3], [sflag:s2] =	dma.local @!p0 [hbm:s0], s1  }
0x115: {  	s0 =	simm.s32 @!p0 $0x5  }
0x116: {  	_ =	swait.ge @!p0 [sflag:s0], s1  }
0x117: {  	s1 =	ssub.s32 @!p0 $0x0, s1;
	[sflag:s0] =	ssyncset.done @!p0 $0x0  }
0x118: {  	[sflag:s0] =	ssyncadd.s32 @!p0 s1  }
0x119: {  	[bflag:$0x3] =	sbarrier.arrive $0xFFFF  }
0x11a: {  	_ =	shalt  }

</sc_bundles>
